<compile_context>
chip_gen: v7x
topology: tpu7x:2x2x1
jax: 0.10.2.dev20260603
libtpu: 0.0.44.dev20260713+nightly
codegen_flags: <defaults>
</compile_context>

<pallas_src>
import functools

import jax
import jax.numpy as jnp
from jax import lax
from jax.experimental import pallas as pl
from jax.experimental.pallas import tpu as pltpu
from jax.experimental.pallas import tpu_sc as plsc

NC = 2
NS = 16
NW = NC * NS
CHUNK = 8
NBUF = 8


@functools.lru_cache(maxsize=None)
def _build(n_chunks: int, d_model: int):
    b_per_w = n_chunks * CHUNK
    total = NW * b_per_w

    mesh = plsc.VectorSubcoreMesh(
        core_axis_name="c", subcore_axis_name="s", num_cores=NC, num_subcores=NS
    )

    @functools.partial(
        pl.kernel,
        out_type=jax.ShapeDtypeStruct((total, d_model), jnp.float32),
        mesh=mesh,
        scratch_types=[
            pltpu.VMEM((n_chunks, CHUNK), jnp.int32),
            pltpu.VMEM((NBUF, CHUNK, d_model), jnp.float32),
        ]
        + [pltpu.SemaphoreType.DMA] * (2 * NBUF),
    )
    def gather_kernel(table_hbm, idx_hbm, out_hbm, idx_v, rows_v, *sems):
        sem_g = list(sems[:NBUF])
        sem_w = list(sems[NBUF:])
        wid = lax.axis_index("s") * NC + lax.axis_index("c")
        base = wid * b_per_w

        pltpu.sync_copy(idx_hbm.at[wid], idx_v)

        for b in range(NBUF):
            pltpu.async_copy(table_hbm.at[idx_v.at[b]], rows_v.at[b], sem_g[b])

        @pl.loop(0, n_chunks, step=NBUF)
        def _(g):
            writes = []
            for b in range(NBUF):
                i = g + b
                pltpu.make_async_copy(
                    table_hbm.at[pl.ds(0, CHUNK)], rows_v.at[b], sem_g[b]
                ).wait()
                writes.append(
                    pltpu.async_copy(
                        rows_v.at[b],
                        out_hbm.at[pl.ds(base + i * CHUNK, CHUNK)],
                        sem_w[b],
                    )
                )
            for b in range(NBUF):
                i = g + b
                writes[b].wait()
                nxt = i + NBUF

                @pl.when(nxt < n_chunks)
                def _():
                    pltpu.async_copy(table_hbm.at[idx_v.at[nxt]], rows_v.at[b], sem_g[b])

    return gather_kernel


def kernel(positions, table):
    batch, seq = positions.shape
    d_model = table.shape[1]
    total = batch * seq
    assert total % (NW * CHUNK) == 0
    n_chunks = total // (NW * CHUNK)
    idx = positions.astype(jnp.int32).reshape(NW, n_chunks, CHUNK)
    out = _build(n_chunks, d_model)(table.astype(jnp.float32), idx)
    return out.reshape(batch, seq, d_model)

# --- scband reference (transcript-rebuilt; emitter-appended) ---
"""Pipeline reference for scband-positional-embedding-29892972380591 (READ-ONLY COPY).

The authoritative reference and input builder live on the scoring server;
editing this copy changes nothing except your own understanding.
"""

import jax, jax.numpy as jnp
import numpy as np

MAX_SEQ_LEN = 8192
D_MODEL = 1024

def setup_inputs(seed: int = 0) -> dict:
    key = jax.random.key(seed)
    k1, k2 = jax.random.split(key)
    positions = jax.random.randint(k1, (4, 8192), 0, MAX_SEQ_LEN, dtype=jnp.int64 if jax.config.jax_enable_x64 else jnp.int32)
    table = jax.random.normal(k2, (MAX_SEQ_LEN, D_MODEL), dtype=jnp.float32) * 0.02
    return {"positions": positions, "table": table}

def reference(positions, table):
    # nn.Embedding lookup: table[positions] -> (batch, seq_len, d_model)
    return jnp.take(table, positions, axis=0)

if __name__ == "__main__":
    import jax
    _d = setup_inputs()
    print(jax.jit(kernel)(*tuple(_d.values())))

</pallas_src>

<mosaic_0001>
#map = affine_map<(d0, d1) -> (0, 0)>
#map1 = affine_map<(d0, d1) -> (0, 0, 0)>
module attributes {stable_mosaic.version = 14 : i64} {
  func.func @gather_kernel(%arg0: i32, %arg1: i32, %arg2: memref<8192x1024xf32, #tpu.memory_space<hbm>>, %arg3: memref<32x128x8xi32, #tpu.memory_space<hbm>>, %arg4: memref<32768x1024xf32, #tpu.memory_space<hbm>>, %arg5: memref<128x8xi32, #tpu.memory_space<vmem>>, %arg6: memref<8x8x1024xf32, #tpu.memory_space<vmem>>, %arg7: memref<!tpu.dma_semaphore, #tpu.memory_space<semaphore_mem>>, %arg8: memref<!tpu.dma_semaphore, #tpu.memory_space<semaphore_mem>>, %arg9: memref<!tpu.dma_semaphore, #tpu.memory_space<semaphore_mem>>, %arg10: memref<!tpu.dma_semaphore, #tpu.memory_space<semaphore_mem>>, %arg11: memref<!tpu.dma_semaphore, #tpu.memory_space<semaphore_mem>>, %arg12: memref<!tpu.dma_semaphore, #tpu.memory_space<semaphore_mem>>, %arg13: memref<!tpu.dma_semaphore, #tpu.memory_space<semaphore_mem>>, %arg14: memref<!tpu.dma_semaphore, #tpu.memory_space<semaphore_mem>>, %arg15: memref<!tpu.dma_semaphore, #tpu.memory_space<semaphore_mem>>, %arg16: memref<!tpu.dma_semaphore, #tpu.memory_space<semaphore_mem>>, %arg17: memref<!tpu.dma_semaphore, #tpu.memory_space<semaphore_mem>>, %arg18: memref<!tpu.dma_semaphore, #tpu.memory_space<semaphore_mem>>, %arg19: memref<!tpu.dma_semaphore, #tpu.memory_space<semaphore_mem>>, %arg20: memref<!tpu.dma_semaphore, #tpu.memory_space<semaphore_mem>>, %arg21: memref<!tpu.dma_semaphore, #tpu.memory_space<semaphore_mem>>, %arg22: memref<!tpu.dma_semaphore, #tpu.memory_space<semaphore_mem>>) attributes {dimension_semantics = [#tpu.dimension_semantics<core_parallel>, #tpu.dimension_semantics<subcore_parallel>], iteration_bounds = array<i64: 2, 16>, scalar_prefetch = 0 : i64, scratch_operands = 18 : i64, tpu.core_type = #tpu.core_type<sc_vector_subcore>, window_params = [{transform_indices = #map}, {transform_indices = #map1}, {transform_indices = #map}]} {
    %mul3A = arith.constant 2 : i32
    %mul3A_0 = arith.muli %arg1, %mul3A : i32
    %add3A = arith.addi %mul3A_0, %arg0 : i32
    %mul3A_1 = arith.constant 1024 : i32
    %mul3A_2 = arith.muli %add3A, %mul3A_1 : i32
    "tpu.region"() ({
      %run_scoped3A = tpu.sem_alloc : memref<!tpu.dma_semaphore, #tpu.memory_space<semaphore_mem>>
      %dma_start3A_102 = arith.constant 0 : i32
      %dma_start3A_103 = arith.constant 0 : i32
      %dma_start3A_104 = tpu.memref_slice %arg3[%add3A, %dma_start3A_102, %dma_start3A_103] : memref<32x128x8xi32, #tpu.memory_space<hbm>> -> memref<1x128x8xi32, #tpu.memory_space<hbm>>
      %dma_start3A_105 = tpu.memref_squeeze %dma_start3A_104 : memref<1x128x8xi32, #tpu.memory_space<hbm>> -> memref<128x8xi32, #tpu.memory_space<hbm>>
      %dma_start3A_106 = arith.constant 0 : i32
      %dma_start3A_107 = arith.constant 0 : i32
      %dma_start3A_108 = tpu.memref_slice %arg3[%add3A, %dma_start3A_106, %dma_start3A_107] : memref<32x128x8xi32, #tpu.memory_space<hbm>> -> memref<1x128x8xi32, #tpu.memory_space<hbm>>
      %dma_start3A_109 = tpu.memref_squeeze %dma_start3A_108 : memref<1x128x8xi32, #tpu.memory_space<hbm>> -> memref<128x8xi32, #tpu.memory_space<hbm>>
      tpu.enqueue_dma source(%dma_start3A_109 : memref<128x8xi32, #tpu.memory_space<hbm>>) target(%arg5 : memref<128x8xi32, #tpu.memory_space<vmem>>) target_semaphore(%run_scoped3A : memref<!tpu.dma_semaphore, #tpu.memory_space<semaphore_mem>>)
      %dma_wait3A = arith.constant 0 : i32
      %dma_wait3A_110 = arith.constant 0 : i32
      %dma_wait3A_111 = tpu.memref_slice %arg3[%add3A, %dma_wait3A, %dma_wait3A_110] : memref<32x128x8xi32, #tpu.memory_space<hbm>> -> memref<1x128x8xi32, #tpu.memory_space<hbm>>
      %dma_wait3A_112 = tpu.memref_squeeze %dma_wait3A_111 : memref<1x128x8xi32, #tpu.memory_space<hbm>> -> memref<128x8xi32, #tpu.memory_space<hbm>>
      %dma_wait3A_113 = arith.constant 0 : i32
      %dma_wait3A_114 = arith.constant 0 : i32
      %dma_wait3A_115 = tpu.memref_slice %arg3[%add3A, %dma_wait3A_113, %dma_wait3A_114] : memref<32x128x8xi32, #tpu.memory_space<hbm>> -> memref<1x128x8xi32, #tpu.memory_space<hbm>>
      %dma_wait3A_116 = tpu.memref_squeeze %dma_wait3A_115 : memref<1x128x8xi32, #tpu.memory_space<hbm>> -> memref<128x8xi32, #tpu.memory_space<hbm>>
      tpu.wait_dma2 semaphore(%run_scoped3A : memref<!tpu.dma_semaphore, #tpu.memory_space<semaphore_mem>>) src(%dma_wait3A_116 : memref<128x8xi32, #tpu.memory_space<hbm>>) dst(%arg5 : memref<128x8xi32, #tpu.memory_space<vmem>>)
      tpu.yield
    }) : () -> ()
    %dma_start3A = arith.constant 0 : i32
    %dma_start3A_3 = arith.constant 0 : i32
    %dma_start3A_4 = arith.constant 0 : i32
    %dma_start3A_5 = arith.constant 0 : i32
    %dma_start3A_6 = tpu.memref_slice %arg6[%dma_start3A_3, %dma_start3A_4, %dma_start3A_5] : memref<8x8x1024xf32, #tpu.memory_space<vmem>> -> memref<1x8x1024xf32, #tpu.memory_space<vmem>>
    %dma_start3A_7 = tpu.memref_squeeze %dma_start3A_6 : memref<1x8x1024xf32, #tpu.memory_space<vmem>> -> memref<8x1024xf32, #tpu.memory_space<vmem>>
    %dma_start3A_8 = arith.constant 0 : i32
    %dma_start3A_9 = tpu.memref_slice %arg5[%dma_start3A, %dma_start3A_8] : memref<128x8xi32, #tpu.memory_space<vmem>> -> memref<1x8xi32, #tpu.memory_space<vmem>>
    %dma_start3A_10 = tpu.memref_squeeze %dma_start3A_9 : memref<1x8xi32, #tpu.memory_space<vmem>> -> memref<8xi32, #tpu.memory_space<vmem>>
    %dma_start3A_11 = arith.constant 0 : i32
    %dma_start3A_12 = arith.constant 0 : i32
    %dma_start3A_13 = tpu.memref_slice %arg2[%dma_start3A_11, %dma_start3A_12] : memref<8192x1024xf32, #tpu.memory_space<hbm>> -> memref<8192x1024xf32, #tpu.memory_space<hbm>>
    tpu.enqueue_indirect_dma source(%dma_start3A_13 : memref<8192x1024xf32, #tpu.memory_space<hbm>>) target(%dma_start3A_7 : memref<8x1024xf32, #tpu.memory_space<vmem>>) offsets(%dma_start3A_10 : memref<8xi32, #tpu.memory_space<vmem>>) semaphore(%arg7 : memref<!tpu.dma_semaphore, #tpu.memory_space<semaphore_mem>>)
    %dma_start3A_14 = arith.constant 1 : i32
    %dma_start3A_15 = arith.constant 1 : i32
    %dma_start3A_16 = arith.constant 0 : i32
    %dma_start3A_17 = arith.constant 0 : i32
    %dma_start3A_18 = tpu.memref_slice %arg6[%dma_start3A_15, %dma_start3A_16, %dma_start3A_17] : memref<8x8x1024xf32, #tpu.memory_space<vmem>> -> memref<1x8x1024xf32, #tpu.memory_space<vmem>>
    %dma_start3A_19 = tpu.memref_squeeze %dma_start3A_18 : memref<1x8x1024xf32, #tpu.memory_space<vmem>> -> memref<8x1024xf32, #tpu.memory_space<vmem>>
    %dma_start3A_20 = arith.constant 0 : i32
    %dma_start3A_21 = tpu.memref_slice %arg5[%dma_start3A_14, %dma_start3A_20] : memref<128x8xi32, #tpu.memory_space<vmem>> -> memref<1x8xi32, #tpu.memory_space<vmem>>
    %dma_start3A_22 = tpu.memref_squeeze %dma_start3A_21 : memref<1x8xi32, #tpu.memory_space<vmem>> -> memref<8xi32, #tpu.memory_space<vmem>>
    %dma_start3A_23 = arith.constant 0 : i32
    %dma_start3A_24 = arith.constant 0 : i32
    %dma_start3A_25 = tpu.memref_slice %arg2[%dma_start3A_23, %dma_start3A_24] : memref<8192x1024xf32, #tpu.memory_space<hbm>> -> memref<8192x1024xf32, #tpu.memory_space<hbm>>
    tpu.enqueue_indirect_dma source(%dma_start3A_25 : memref<8192x1024xf32, #tpu.memory_space<hbm>>) target(%dma_start3A_19 : memref<8x1024xf32, #tpu.memory_space<vmem>>) offsets(%dma_start3A_22 : memref<8xi32, #tpu.memory_space<vmem>>) semaphore(%arg8 : memref<!tpu.dma_semaphore, #tpu.memory_space<semaphore_mem>>)
    %dma_start3A_26 = arith.constant 2 : i32
    %dma_start3A_27 = arith.constant 2 : i32
    %dma_start3A_28 = arith.constant 0 : i32
    %dma_start3A_29 = arith.constant 0 : i32
    %dma_start3A_30 = tpu.memref_slice %arg6[%dma_start3A_27, %dma_start3A_28, %dma_start3A_29] : memref<8x8x1024xf32, #tpu.memory_space<vmem>> -> memref<1x8x1024xf32, #tpu.memory_space<vmem>>
    %dma_start3A_31 = tpu.memref_squeeze %dma_start3A_30 : memref<1x8x1024xf32, #tpu.memory_space<vmem>> -> memref<8x1024xf32, #tpu.memory_space<vmem>>
    %dma_start3A_32 = arith.constant 0 : i32
    %dma_start3A_33 = tpu.memref_slice %arg5[%dma_start3A_26, %dma_start3A_32] : memref<128x8xi32, #tpu.memory_space<vmem>> -> memref<1x8xi32, #tpu.memory_space<vmem>>
    %dma_start3A_34 = tpu.memref_squeeze %dma_start3A_33 : memref<1x8xi32, #tpu.memory_space<vmem>> -> memref<8xi32, #tpu.memory_space<vmem>>
    %dma_start3A_35 = arith.constant 0 : i32
    %dma_start3A_36 = arith.constant 0 : i32
    %dma_start3A_37 = tpu.memref_slice %arg2[%dma_start3A_35, %dma_start3A_36] : memref<8192x1024xf32, #tpu.memory_space<hbm>> -> memref<8192x1024xf32, #tpu.memory_space<hbm>>
    tpu.enqueue_indirect_dma source(%dma_start3A_37 : memref<8192x1024xf32, #tpu.memory_space<hbm>>) target(%dma_start3A_31 : memref<8x1024xf32, #tpu.memory_space<vmem>>) offsets(%dma_start3A_34 : memref<8xi32, #tpu.memory_space<vmem>>) semaphore(%arg9 : memref<!tpu.dma_semaphore, #tpu.memory_space<semaphore_mem>>)
    %dma_start3A_38 = arith.constant 3 : i32
    %dma_start3A_39 = arith.constant 3 : i32
    %dma_start3A_40 = arith.constant 0 : i32
    %dma_start3A_41 = arith.constant 0 : i32
    %dma_start3A_42 = tpu.memref_slice %arg6[%dma_start3A_39, %dma_start3A_40, %dma_start3A_41] : memref<8x8x1024xf32, #tpu.memory_space<vmem>> -> memref<1x8x1024xf32, #tpu.memory_space<vmem>>
    %dma_start3A_43 = tpu.memref_squeeze %dma_start3A_42 : memref<1x8x1024xf32, #tpu.memory_space<vmem>> -> memref<8x1024xf32, #tpu.memory_space<vmem>>
    %dma_start3A_44 = arith.constant 0 : i32
    %dma_start3A_45 = tpu.memref_slice %arg5[%dma_start3A_38, %dma_start3A_44] : memref<128x8xi32, #tpu.memory_space<vmem>> -> memref<1x8xi32, #tpu.memory_space<vmem>>
    %dma_start3A_46 = tpu.memref_squeeze %dma_start3A_45 : memref<1x8xi32, #tpu.memory_space<vmem>> -> memref<8xi32, #tpu.memory_space<vmem>>
    %dma_start3A_47 = arith.constant 0 : i32
    %dma_start3A_48 = arith.constant 0 : i32
    %dma_start3A_49 = tpu.memref_slice %arg2[%dma_start3A_47, %dma_start3A_48] : memref<8192x1024xf32, #tpu.memory_space<hbm>> -> memref<8192x1024xf32, #tpu.memory_space<hbm>>
    tpu.enqueue_indirect_dma source(%dma_start3A_49 : memref<8192x1024xf32, #tpu.memory_space<hbm>>) target(%dma_start3A_43 : memref<8x1024xf32, #tpu.memory_space<vmem>>) offsets(%dma_start3A_46 : memref<8xi32, #tpu.memory_space<vmem>>) semaphore(%arg10 : memref<!tpu.dma_semaphore, #tpu.memory_space<semaphore_mem>>)
    %dma_start3A_50 = arith.constant 4 : i32
    %dma_start3A_51 = arith.constant 4 : i32
    %dma_start3A_52 = arith.constant 0 : i32
    %dma_start3A_53 = arith.constant 0 : i32
    %dma_start3A_54 = tpu.memref_slice %arg6[%dma_start3A_51, %dma_start3A_52, %dma_start3A_53] : memref<8x8x1024xf32, #tpu.memory_space<vmem>> -> memref<1x8x1024xf32, #tpu.memory_space<vmem>>
    %dma_start3A_55 = tpu.memref_squeeze %dma_start3A_54 : memref<1x8x1024xf32, #tpu.memory_space<vmem>> -> memref<8x1024xf32, #tpu.memory_space<vmem>>
    %dma_start3A_56 = arith.constant 0 : i32
    %dma_start3A_57 = tpu.memref_slice %arg5[%dma_start3A_50, %dma_start3A_56] : memref<128x8xi32, #tpu.memory_space<vmem>> -> memref<1x8xi32, #tpu.memory_space<vmem>>
    %dma_start3A_58 = tpu.memref_squeeze %dma_start3A_57 : memref<1x8xi32, #tpu.memory_space<vmem>> -> memref<8xi32, #tpu.memory_space<vmem>>
    %dma_start3A_59 = arith.constant 0 : i32
    %dma_start3A_60 = arith.constant 0 : i32
    %dma_start3A_61 = tpu.memref_slice %arg2[%dma_start3A_59, %dma_start3A_60] : memref<8192x1024xf32, #tpu.memory_space<hbm>> -> memref<8192x1024xf32, #tpu.memory_space<hbm>>
    tpu.enqueue_indirect_dma source(%dma_start3A_61 : memref<8192x1024xf32, #tpu.memory_space<hbm>>) target(%dma_start3A_55 : memref<8x1024xf32, #tpu.memory_space<vmem>>) offsets(%dma_start3A_58 : memref<8xi32, #tpu.memory_space<vmem>>) semaphore(%arg11 : memref<!tpu.dma_semaphore, #tpu.memory_space<semaphore_mem>>)
    %dma_start3A_62 = arith.constant 5 : i32
    %dma_start3A_63 = arith.constant 5 : i32
    %dma_start3A_64 = arith.constant 0 : i32
    %dma_start3A_65 = arith.constant 0 : i32
    %dma_start3A_66 = tpu.memref_slice %arg6[%dma_start3A_63, %dma_start3A_64, %dma_start3A_65] : memref<8x8x1024xf32, #tpu.memory_space<vmem>> -> memref<1x8x1024xf32, #tpu.memory_space<vmem>>
    %dma_start3A_67 = tpu.memref_squeeze %dma_start3A_66 : memref<1x8x1024xf32, #tpu.memory_space<vmem>> -> memref<8x1024xf32, #tpu.memory_space<vmem>>
    %dma_start3A_68 = arith.constant 0 : i32
    %dma_start3A_69 = tpu.memref_slice %arg5[%dma_start3A_62, %dma_start3A_68] : memref<128x8xi32, #tpu.memory_space<vmem>> -> memref<1x8xi32, #tpu.memory_space<vmem>>
    %dma_start3A_70 = tpu.memref_squeeze %dma_start3A_69 : memref<1x8xi32, #tpu.memory_space<vmem>> -> memref<8xi32, #tpu.memory_space<vmem>>
    %dma_start3A_71 = arith.constant 0 : i32
    %dma_start3A_72 = arith.constant 0 : i32
    %dma_start3A_73 = tpu.memref_slice %arg2[%dma_start3A_71, %dma_start3A_72] : memref<8192x1024xf32, #tpu.memory_space<hbm>> -> memref<8192x1024xf32, #tpu.memory_space<hbm>>
    tpu.enqueue_indirect_dma source(%dma_start3A_73 : memref<8192x1024xf32, #tpu.memory_space<hbm>>) target(%dma_start3A_67 : memref<8x1024xf32, #tpu.memory_space<vmem>>) offsets(%dma_start3A_70 : memref<8xi32, #tpu.memory_space<vmem>>) semaphore(%arg12 : memref<!tpu.dma_semaphore, #tpu.memory_space<semaphore_mem>>)
    %dma_start3A_74 = arith.constant 6 : i32
    %dma_start3A_75 = arith.constant 6 : i32
    %dma_start3A_76 = arith.constant 0 : i32
    %dma_start3A_77 = arith.constant 0 : i32
    %dma_start3A_78 = tpu.memref_slice %arg6[%dma_start3A_75, %dma_start3A_76, %dma_start3A_77] : memref<8x8x1024xf32, #tpu.memory_space<vmem>> -> memref<1x8x1024xf32, #tpu.memory_space<vmem>>
    %dma_start3A_79 = tpu.memref_squeeze %dma_start3A_78 : memref<1x8x1024xf32, #tpu.memory_space<vmem>> -> memref<8x1024xf32, #tpu.memory_space<vmem>>
    %dma_start3A_80 = arith.constant 0 : i32
    %dma_start3A_81 = tpu.memref_slice %arg5[%dma_start3A_74, %dma_start3A_80] : memref<128x8xi32, #tpu.memory_space<vmem>> -> memref<1x8xi32, #tpu.memory_space<vmem>>
    %dma_start3A_82 = tpu.memref_squeeze %dma_start3A_81 : memref<1x8xi32, #tpu.memory_space<vmem>> -> memref<8xi32, #tpu.memory_space<vmem>>
    %dma_start3A_83 = arith.constant 0 : i32
    %dma_start3A_84 = arith.constant 0 : i32
    %dma_start3A_85 = tpu.memref_slice %arg2[%dma_start3A_83, %dma_start3A_84] : memref<8192x1024xf32, #tpu.memory_space<hbm>> -> memref<8192x1024xf32, #tpu.memory_space<hbm>>
    tpu.enqueue_indirect_dma source(%dma_start3A_85 : memref<8192x1024xf32, #tpu.memory_space<hbm>>) target(%dma_start3A_79 : memref<8x1024xf32, #tpu.memory_space<vmem>>) offsets(%dma_start3A_82 : memref<8xi32, #tpu.memory_space<vmem>>) semaphore(%arg13 : memref<!tpu.dma_semaphore, #tpu.memory_space<semaphore_mem>>)
    %dma_start3A_86 = arith.constant 7 : i32
    %dma_start3A_87 = arith.constant 7 : i32
    %dma_start3A_88 = arith.constant 0 : i32
    %dma_start3A_89 = arith.constant 0 : i32
    %dma_start3A_90 = tpu.memref_slice %arg6[%dma_start3A_87, %dma_start3A_88, %dma_start3A_89] : memref<8x8x1024xf32, #tpu.memory_space<vmem>> -> memref<1x8x1024xf32, #tpu.memory_space<vmem>>
    %dma_start3A_91 = tpu.memref_squeeze %dma_start3A_90 : memref<1x8x1024xf32, #tpu.memory_space<vmem>> -> memref<8x1024xf32, #tpu.memory_space<vmem>>
    %dma_start3A_92 = arith.constant 0 : i32
    %dma_start3A_93 = tpu.memref_slice %arg5[%dma_start3A_86, %dma_start3A_92] : memref<128x8xi32, #tpu.memory_space<vmem>> -> memref<1x8xi32, #tpu.memory_space<vmem>>
    %dma_start3A_94 = tpu.memref_squeeze %dma_start3A_93 : memref<1x8xi32, #tpu.memory_space<vmem>> -> memref<8xi32, #tpu.memory_space<vmem>>
    %dma_start3A_95 = arith.constant 0 : i32
    %dma_start3A_96 = arith.constant 0 : i32
    %dma_start3A_97 = tpu.memref_slice %arg2[%dma_start3A_95, %dma_start3A_96] : memref<8192x1024xf32, #tpu.memory_space<hbm>> -> memref<8192x1024xf32, #tpu.memory_space<hbm>>
    tpu.enqueue_indirect_dma source(%dma_start3A_97 : memref<8192x1024xf32, #tpu.memory_space<hbm>>) target(%dma_start3A_91 : memref<8x1024xf32, #tpu.memory_space<vmem>>) offsets(%dma_start3A_94 : memref<8xi32, #tpu.memory_space<vmem>>) semaphore(%arg14 : memref<!tpu.dma_semaphore, #tpu.memory_space<semaphore_mem>>)
    %scan3A = arith.constant 0 : i32
    %scan3A_98 = arith.constant 16 : i32
    %scan3A_99 = arith.addi %scan3A, %scan3A_98 : i32
    %scan3A_100 = arith.constant 1 : i32
    scf.for %scan3A_102 = %scan3A to %scan3A_99 step %scan3A_100  : i32 {
      %mul3A_103 = arith.constant 8 : i32
      %mul3A_104 = arith.muli %scan3A_102, %mul3A_103 : i32
      %add3A_105 = arith.constant 0 : i32
      %add3A_106 = arith.addi %add3A_105, %mul3A_104 : i32
      %add3A_107 = arith.constant 0 : i32
      %add3A_108 = arith.addi %add3A_106, %add3A_107 : i32
      %dma_wait3A = arith.constant 0 : i32
      %dma_wait3A_109 = arith.constant 0 : i32
      %dma_wait3A_110 = arith.constant 0 : i32
      %dma_wait3A_111 = tpu.memref_slice %arg6[%dma_wait3A, %dma_wait3A_109, %dma_wait3A_110] : memref<8x8x1024xf32, #tpu.memory_space<vmem>> -> memref<1x8x1024xf32, #tpu.memory_space<vmem>>
      %dma_wait3A_112 = tpu.memref_squeeze %dma_wait3A_111 : memref<1x8x1024xf32, #tpu.memory_space<vmem>> -> memref<8x1024xf32, #tpu.memory_space<vmem>>
      %dma_wait3A_113 = arith.constant 0 : i32
      %dma_wait3A_114 = arith.constant 0 : i32
      %dma_wait3A_115 = tpu.memref_slice %arg2[%dma_wait3A_113, %dma_wait3A_114] : memref<8192x1024xf32, #tpu.memory_space<hbm>> -> memref<8x1024xf32, #tpu.memory_space<hbm>>
      %dma_wait3A_116 = arith.constant 0 : i32
      %dma_wait3A_117 = arith.constant 0 : i32
      %dma_wait3A_118 = tpu.memref_slice %arg6[%dma_wait3A, %dma_wait3A_116, %dma_wait3A_117] : memref<8x8x1024xf32, #tpu.memory_space<vmem>> -> memref<1x8x1024xf32, #tpu.memory_space<vmem>>
      %dma_wait3A_119 = tpu.memref_squeeze %dma_wait3A_118 : memref<1x8x1024xf32, #tpu.memory_space<vmem>> -> memref<8x1024xf32, #tpu.memory_space<vmem>>
      %dma_wait3A_120 = arith.constant 0 : i32
      %dma_wait3A_121 = arith.constant 0 : i32
      %dma_wait3A_122 = tpu.memref_slice %arg2[%dma_wait3A_120, %dma_wait3A_121] : memref<8192x1024xf32, #tpu.memory_space<hbm>> -> memref<8x1024xf32, #tpu.memory_space<hbm>>
      tpu.wait_dma2 semaphore(%arg7 : memref<!tpu.dma_semaphore, #tpu.memory_space<semaphore_mem>>) src(%dma_wait3A_122 : memref<8x1024xf32, #tpu.memory_space<hbm>>) dst(%dma_wait3A_119 : memref<8x1024xf32, #tpu.memory_space<vmem>>)
      %mul3A_123 = arith.constant 8 : i32
      %mul3A_124 = arith.muli %add3A_108, %mul3A_123 : i32
      %add3A_125 = arith.addi %mul3A_2, %mul3A_124 : i32
      %dma_start3A_126 = arith.constant 0 : i32
      %dma_start3A_127 = arith.constant 0 : i32
      %dma_start3A_128 = arith.constant 0 : i32
      %dma_start3A_129 = tpu.memref_slice %arg6[%dma_start3A_126, %dma_start3A_127, %dma_start3A_128] : memref<8x8x1024xf32, #tpu.memory_space<vmem>> -> memref<1x8x1024xf32, #tpu.memory_space<vmem>>
      %dma_start3A_130 = tpu.memref_squeeze %dma_start3A_129 : memref<1x8x1024xf32, #tpu.memory_space<vmem>> -> memref<8x1024xf32, #tpu.memory_space<vmem>>
      %dma_start3A_131 = arith.constant 0 : i32
      %dma_start3A_132 = tpu.memref_slice %arg4[%add3A_125, %dma_start3A_131] : memref<32768x1024xf32, #tpu.memory_space<hbm>> -> memref<8x1024xf32, #tpu.memory_space<hbm>>
      %dma_start3A_133 = arith.constant 0 : i32
      %dma_start3A_134 = tpu.memref_slice %arg4[%add3A_125, %dma_start3A_133] : memref<32768x1024xf32, #tpu.memory_space<hbm>> -> memref<8x1024xf32, #tpu.memory_space<hbm>>
      %dma_start3A_135 = arith.constant 0 : i32
      %dma_start3A_136 = arith.constant 0 : i32
      %dma_start3A_137 = tpu.memref_slice %arg6[%dma_start3A_126, %dma_start3A_135, %dma_start3A_136] : memref<8x8x1024xf32, #tpu.memory_space<vmem>> -> memref<1x8x1024xf32, #tpu.memory_space<vmem>>
      %dma_start3A_138 = tpu.memref_squeeze %dma_start3A_137 : memref<1x8x1024xf32, #tpu.memory_space<vmem>> -> memref<8x1024xf32, #tpu.memory_space<vmem>>
      tpu.enqueue_dma source(%dma_start3A_138 : memref<8x1024xf32, #tpu.memory_space<vmem>>) target(%dma_start3A_134 : memref<8x1024xf32, #tpu.memory_space<hbm>>) target_semaphore(%arg15 : memref<!tpu.dma_semaphore, #tpu.memory_space<semaphore_mem>>)
      %add3A_139 = arith.constant 1 : i32
      %add3A_140 = arith.addi %add3A_106, %add3A_139 : i32
      %dma_wait3A_141 = arith.constant 1 : i32
      %dma_wait3A_142 = arith.constant 0 : i32
      %dma_wait3A_143 = arith.constant 0 : i32
      %dma_wait3A_144 = tpu.memref_slice %arg6[%dma_wait3A_141, %dma_wait3A_142, %dma_wait3A_143] : memref<8x8x1024xf32, #tpu.memory_space<vmem>> -> memref<1x8x1024xf32, #tpu.memory_space<vmem>>
      %dma_wait3A_145 = tpu.memref_squeeze %dma_wait3A_144 : memref<1x8x1024xf32, #tpu.memory_space<vmem>> -> memref<8x1024xf32, #tpu.memory_space<vmem>>
      %dma_wait3A_146 = arith.constant 0 : i32
      %dma_wait3A_147 = arith.constant 0 : i32
      %dma_wait3A_148 = tpu.memref_slice %arg2[%dma_wait3A_146, %dma_wait3A_147] : memref<8192x1024xf32, #tpu.memory_space<hbm>> -> memref<8x1024xf32, #tpu.memory_space<hbm>>
      %dma_wait3A_149 = arith.constant 0 : i32
      %dma_wait3A_150 = arith.constant 0 : i32
      %dma_wait3A_151 = tpu.memref_slice %arg6[%dma_wait3A_141, %dma_wait3A_149, %dma_wait3A_150] : memref<8x8x1024xf32, #tpu.memory_space<vmem>> -> memref<1x8x1024xf32, #tpu.memory_space<vmem>>
      %dma_wait3A_152 = tpu.memref_squeeze %dma_wait3A_151 : memref<1x8x1024xf32, #tpu.memory_space<vmem>> -> memref<8x1024xf32, #tpu.memory_space<vmem>>
      %dma_wait3A_153 = arith.constant 0 : i32
      %dma_wait3A_154 = arith.constant 0 : i32
      %dma_wait3A_155 = tpu.memref_slice %arg2[%dma_wait3A_153, %dma_wait3A_154] : memref<8192x1024xf32, #tpu.memory_space<hbm>> -> memref<8x1024xf32, #tpu.memory_space<hbm>>
      tpu.wait_dma2 semaphore(%arg8 : memref<!tpu.dma_semaphore, #tpu.memory_space<semaphore_mem>>) src(%dma_wait3A_155 : memref<8x1024xf32, #tpu.memory_space<hbm>>) dst(%dma_wait3A_152 : memref<8x1024xf32, #tpu.memory_space<vmem>>)
      %mul3A_156 = arith.constant 8 : i32
      %mul3A_157 = arith.muli %add3A_140, %mul3A_156 : i32
      %add3A_158 = arith.addi %mul3A_2, %mul3A_157 : i32
      %dma_start3A_159 = arith.constant 1 : i32
      %dma_start3A_160 = arith.constant 0 : i32
      %dma_start3A_161 = arith.constant 0 : i32
      %dma_start3A_162 = tpu.memref_slice %arg6[%dma_start3A_159, %dma_start3A_160, %dma_start3A_161] : memref<8x8x1024xf32, #tpu.memory_space<vmem>> -> memref<1x8x1024xf32, #tpu.memory_space<vmem>>
      %dma_start3A_163 = tpu.memref_squeeze %dma_start3A_162 : memref<1x8x1024xf32, #tpu.memory_space<vmem>> -> memref<8x1024xf32, #tpu.memory_space<vmem>>
      %dma_start3A_164 = arith.constant 0 : i32
      %dma_start3A_165 = tpu.memref_slice %arg4[%add3A_158, %dma_start3A_164] : memref<32768x1024xf32, #tpu.memory_space<hbm>> -> memref<8x1024xf32, #tpu.memory_space<hbm>>
      %dma_start3A_166 = arith.constant 0 : i32
      %dma_start3A_167 = tpu.memref_slice %arg4[%add3A_158, %dma_start3A_166] : memref<32768x1024xf32, #tpu.memory_space<hbm>> -> memref<8x1024xf32, #tpu.memory_space<hbm>>
      %dma_start3A_168 = arith.constant 0 : i32
      %dma_start3A_169 = arith.constant 0 : i32
      %dma_start3A_170 = tpu.memref_slice %arg6[%dma_start3A_159, %dma_start3A_168, %dma_start3A_169] : memref<8x8x1024xf32, #tpu.memory_space<vmem>> -> memref<1x8x1024xf32, #tpu.memory_space<vmem>>
      %dma_start3A_171 = tpu.memref_squeeze %dma_start3A_170 : memref<1x8x1024xf32, #tpu.memory_space<vmem>> -> memref<8x1024xf32, #tpu.memory_space<vmem>>
      tpu.enqueue_dma source(%dma_start3A_171 : memref<8x1024xf32, #tpu.memory_space<vmem>>) target(%dma_start3A_167 : memref<8x1024xf32, #tpu.memory_space<hbm>>) target_semaphore(%arg16 : memref<!tpu.dma_semaphore, #tpu.memory_space<semaphore_mem>>)
      %add3A_172 = arith.constant 2 : i32
      %add3A_173 = arith.addi %add3A_106, %add3A_172 : i32
      %dma_wait3A_174 = arith.constant 2 : i32
      %dma_wait3A_175 = arith.constant 0 : i32
      %dma_wait3A_176 = arith.constant 0 : i32
      %dma_wait3A_177 = tpu.memref_slice %arg6[%dma_wait3A_174, %dma_wait3A_175, %dma_wait3A_176] : memref<8x8x1024xf32, #tpu.memory_space<vmem>> -> memref<1x8x1024xf32, #tpu.memory_space<vmem>>
      %dma_wait3A_178 = tpu.memref_squeeze %dma_wait3A_177 : memref<1x8x1024xf32, #tpu.memory_space<vmem>> -> memref<8x1024xf32, #tpu.memory_space<vmem>>
      %dma_wait3A_179 = arith.constant 0 : i32
      %dma_wait3A_180 = arith.constant 0 : i32
      %dma_wait3A_181 = tpu.memref_slice %arg2[%dma_wait3A_179, %dma_wait3A_180] : memref<8192x1024xf32, #tpu.memory_space<hbm>> -> memref<8x1024xf32, #tpu.memory_space<hbm>>
      %dma_wait3A_182 = arith.constant 0 : i32
      %dma_wait3A_183 = arith.constant 0 : i32
      %dma_wait3A_184 = tpu.memref_slice %arg6[%dma_wait3A_174, %dma_wait3A_182, %dma_wait3A_183] : memref<8x8x1024xf32, #tpu.memory_space<vmem>> -> memref<1x8x1024xf32, #tpu.memory_space<vmem>>
      %dma_wait3A_185 = tpu.memref_squeeze %dma_wait3A_184 : memref<1x8x1024xf32, #tpu.memory_space<vmem>> -> memref<8x1024xf32, #tpu.memory_space<vmem>>
      %dma_wait3A_186 = arith.constant 0 : i32
      %dma_wait3A_187 = arith.constant 0 : i32
      %dma_wait3A_188 = tpu.memref_slice %arg2[%dma_wait3A_186, %dma_wait3A_187] : memref<8192x1024xf32, #tpu.memory_space<hbm>> -> memref<8x1024xf32, #tpu.memory_space<hbm>>
      tpu.wait_dma2 semaphore(%arg9 : memref<!tpu.dma_semaphore, #tpu.memory_space<semaphore_mem>>) src(%dma_wait3A_188 : memref<8x1024xf32, #tpu.memory_space<hbm>>) dst(%dma_wait3A_185 : memref<8x1024xf32, #tpu.memory_space<vmem>>)
      %mul3A_189 = arith.constant 8 : i32
      %mul3A_190 = arith.muli %add3A_173, %mul3A_189 : i32
      %add3A_191 = arith.addi %mul3A_2, %mul3A_190 : i32
      %dma_start3A_192 = arith.constant 2 : i32
      %dma_start3A_193 = arith.constant 0 : i32
      %dma_start3A_194 = arith.constant 0 : i32
      %dma_start3A_195 = tpu.memref_slice %arg6[%dma_start3A_192, %dma_start3A_193, %dma_start3A_194] : memref<8x8x1024xf32, #tpu.memory_space<vmem>> -> memref<1x8x1024xf32, #tpu.memory_space<vmem>>
      %dma_start3A_196 = tpu.memref_squeeze %dma_start3A_195 : memref<1x8x1024xf32, #tpu.memory_space<vmem>> -> memref<8x1024xf32, #tpu.memory_space<vmem>>
      %dma_start3A_197 = arith.constant 0 : i32
      %dma_start3A_198 = tpu.memref_slice %arg4[%add3A_191, %dma_start3A_197] : memref<32768x1024xf32, #tpu.memory_space<hbm>> -> memref<8x1024xf32, #tpu.memory_space<hbm>>
      %dma_start3A_199 = arith.constant 0 : i32
      %dma_start3A_200 = tpu.memref_slice %arg4[%add3A_191, %dma_start3A_199] : memref<32768x1024xf32, #tpu.memory_space<hbm>> -> memref<8x1024xf32, #tpu.memory_space<hbm>>
      %dma_start3A_201 = arith.constant 0 : i32
      %dma_start3A_202 = arith.constant 0 : i32
      %dma_start3A_203 = tpu.memref_slice %arg6[%dma_start3A_192, %dma_start3A_201, %dma_start3A_202] : memref<8x8x1024xf32, #tpu.memory_space<vmem>> -> memref<1x8x1024xf32, #tpu.memory_space<vmem>>
      %dma_start3A_204 = tpu.memref_squeeze %dma_start3A_203 : memref<1x8x1024xf32, #tpu.memory_space<vmem>> -> memref<8x1024xf32, #tpu.memory_space<vmem>>
      tpu.enqueue_dma source(%dma_start3A_204 : memref<8x1024xf32, #tpu.memory_space<vmem>>) target(%dma_start3A_200 : memref<8x1024xf32, #tpu.memory_space<hbm>>) target_semaphore(%arg17 : memref<!tpu.dma_semaphore, #tpu.memory_space<semaphore_mem>>)
      %add3A_205 = arith.constant 3 : i32
      %add3A_206 = arith.addi %add3A_106, %add3A_205 : i32
      %dma_wait3A_207 = arith.constant 3 : i32
      %dma_wait3A_208 = arith.constant 0 : i32
      %dma_wait3A_209 = arith.constant 0 : i32
      %dma_wait3A_210 = tpu.memref_slice %arg6[%dma_wait3A_207, %dma_wait3A_208, %dma_wait3A_209] : memref<8x8x1024xf32, #tpu.memory_space<vmem>> -> memref<1x8x1024xf32, #tpu.memory_space<vmem>>
      %dma_wait3A_211 = tpu.memref_squeeze %dma_wait3A_210 : memref<1x8x1024xf32, #tpu.memory_space<vmem>> -> memref<8x1024xf32, #tpu.memory_space<vmem>>
      %dma_wait3A_212 = arith.constant 0 : i32
      %dma_wait3A_213 = arith.constant 0 : i32
      %dma_wait3A_214 = tpu.memref_slice %arg2[%dma_wait3A_212, %dma_wait3A_213] : memref<8192x1024xf32, #tpu.memory_space<hbm>> -> memref<8x1024xf32, #tpu.memory_space<hbm>>
      %dma_wait3A_215 = arith.constant 0 : i32
      %dma_wait3A_216 = arith.constant 0 : i32
      %dma_wait3A_217 = tpu.memref_slice %arg6[%dma_wait3A_207, %dma_wait3A_215, %dma_wait3A_216] : memref<8x8x1024xf32, #tpu.memory_space<vmem>> -> memref<1x8x1024xf32, #tpu.memory_space<vmem>>
      %dma_wait3A_218 = tpu.memref_squeeze %dma_wait3A_217 : memref<1x8x1024xf32, #tpu.memory_space<vmem>> -> memref<8x1024xf32, #tpu.memory_space<vmem>>
      %dma_wait3A_219 = arith.constant 0 : i32
      %dma_wait3A_220 = arith.constant 0 : i32
      %dma_wait3A_221 = tpu.memref_slice %arg2[%dma_wait3A_219, %dma_wait3A_220] : memref<8192x1024xf32, #tpu.memory_space<hbm>> -> memref<8x1024xf32, #tpu.memory_space<hbm>>
      tpu.wait_dma2 semaphore(%arg10 : memref<!tpu.dma_semaphore, #tpu.memory_space<semaphore_mem>>) src(%dma_wait3A_221 : memref<8x1024xf32, #tpu.memory_space<hbm>>) dst(%dma_wait3A_218 : memref<8x1024xf32, #tpu.memory_space<vmem>>)
      %mul3A_222 = arith.constant 8 : i32
      %mul3A_223 = arith.muli %add3A_206, %mul3A_222 : i32
      %add3A_224 = arith.addi %mul3A_2, %mul3A_223 : i32
      %dma_start3A_225 = arith.constant 3 : i32
      %dma_start3A_226 = arith.constant 0 : i32
      %dma_start3A_227 = arith.constant 0 : i32
      %dma_start3A_228 = tpu.memref_slice %arg6[%dma_start3A_225, %dma_start3A_226, %dma_start3A_227] : memref<8x8x1024xf32, #tpu.memory_space<vmem>> -> memref<1x8x1024xf32, #tpu.memory_space<vmem>>
      %dma_start3A_229 = tpu.memref_squeeze %dma_start3A_228 : memref<1x8x1024xf32, #tpu.memory_space<vmem>> -> memref<8x1024xf32, #tpu.memory_space<vmem>>
      %dma_start3A_230 = arith.constant 0 : i32
      %dma_start3A_231 = tpu.memref_slice %arg4[%add3A_224, %dma_start3A_230] : memref<32768x1024xf32, #tpu.memory_space<hbm>> -> memref<8x1024xf32, #tpu.memory_space<hbm>>
      %dma_start3A_232 = arith.constant 0 : i32
      %dma_start3A_233 = tpu.memref_slice %arg4[%add3A_224, %dma_start3A_232] : memref<32768x1024xf32, #tpu.memory_space<hbm>> -> memref<8x1024xf32, #tpu.memory_space<hbm>>
      %dma_start3A_234 = arith.constant 0 : i32
      %dma_start3A_235 = arith.constant 0 : i32
      %dma_start3A_236 = tpu.memref_slice %arg6[%dma_start3A_225, %dma_start3A_234, %dma_start3A_235] : memref<8x8x1024xf32, #tpu.memory_space<vmem>> -> memref<1x8x1024xf32, #tpu.memory_space<vmem>>
      %dma_start3A_237 = tpu.memref_squeeze %dma_start3A_236 : memref<1x8x1024xf32, #tpu.memory_space<vmem>> -> memref<8x1024xf32, #tpu.memory_space<vmem>>
      tpu.enqueue_dma source(%dma_start3A_237 : memref<8x1024xf32, #tpu.memory_space<vmem>>) target(%dma_start3A_233 : memref<8x1024xf32, #tpu.memory_space<hbm>>) target_semaphore(%arg18 : memref<!tpu.dma_semaphore, #tpu.memory_space<semaphore_mem>>)
      %add3A_238 = arith.constant 4 : i32
      %add3A_239 = arith.addi %add3A_106, %add3A_238 : i32
      %dma_wait3A_240 = arith.constant 4 : i32
      %dma_wait3A_241 = arith.constant 0 : i32
      %dma_wait3A_242 = arith.constant 0 : i32
      %dma_wait3A_243 = tpu.memref_slice %arg6[%dma_wait3A_240, %dma_wait3A_241, %dma_wait3A_242] : memref<8x8x1024xf32, #tpu.memory_space<vmem>> -> memref<1x8x1024xf32, #tpu.memory_space<vmem>>
      %dma_wait3A_244 = tpu.memref_squeeze %dma_wait3A_243 : memref<1x8x1024xf32, #tpu.memory_space<vmem>> -> memref<8x1024xf32, #tpu.memory_space<vmem>>
      %dma_wait3A_245 = arith.constant 0 : i32
      %dma_wait3A_246 = arith.constant 0 : i32
      %dma_wait3A_247 = tpu.memref_slice %arg2[%dma_wait3A_245, %dma_wait3A_246] : memref<8192x1024xf32, #tpu.memory_space<hbm>> -> memref<8x1024xf32, #tpu.memory_space<hbm>>
      %dma_wait3A_248 = arith.constant 0 : i32
      %dma_wait3A_249 = arith.constant 0 : i32
      %dma_wait3A_250 = tpu.memref_slice %arg6[%dma_wait3A_240, %dma_wait3A_248, %dma_wait3A_249] : memref<8x8x1024xf32, #tpu.memory_space<vmem>> -> memref<1x8x1024xf32, #tpu.memory_space<vmem>>
      %dma_wait3A_251 = tpu.memref_squeeze %dma_wait3A_250 : memref<1x8x1024xf32, #tpu.memory_space<vmem>> -> memref<8x1024xf32, #tpu.memory_space<vmem>>
      %dma_wait3A_252 = arith.constant 0 : i32
      %dma_wait3A_253 = arith.constant 0 : i32
      %dma_wait3A_254 = tpu.memref_slice %arg2[%dma_wait3A_252, %dma_wait3A_253] : memref<8192x1024xf32, #tpu.memory_space<hbm>> -> memref<8x1024xf32, #tpu.memory_space<hbm>>
      tpu.wait_dma2 semaphore(%arg11 : memref<!tpu.dma_semaphore, #tpu.memory_space<semaphore_mem>>) src(%dma_wait3A_254 : memref<8x1024xf32, #tpu.memory_space<hbm>>) dst(%dma_wait3A_251 : memref<8x1024xf32, #tpu.memory_space<vmem>>)
      %mul3A_255 = arith.constant 8 : i32
      %mul3A_256 = arith.muli %add3A_239, %mul3A_255 : i32
      %add3A_257 = arith.addi %mul3A_2, %mul3A_256 : i32
      %dma_start3A_258 = arith.constant 4 : i32
      %dma_start3A_259 = arith.constant 0 : i32
      %dma_start3A_260 = arith.constant 0 : i32
      %dma_start3A_261 = tpu.memref_slice %arg6[%dma_start3A_258, %dma_start3A_259, %dma_start3A_260] : memref<8x8x1024xf32, #tpu.memory_space<vmem>> -> memref<1x8x1024xf32, #tpu.memory_space<vmem>>
      %dma_start3A_262 = tpu.memref_squeeze %dma_start3A_261 : memref<1x8x1024xf32, #tpu.memory_space<vmem>> -> memref<8x1024xf32, #tpu.memory_space<vmem>>
      %dma_start3A_263 = arith.constant 0 : i32
      %dma_start3A_264 = tpu.memref_slice %arg4[%add3A_257, %dma_start3A_263] : memref<32768x1024xf32, #tpu.memory_space<hbm>> -> memref<8x1024xf32, #tpu.memory_space<hbm>>
      %dma_start3A_265 = arith.constant 0 : i32
      %dma_start3A_266 = tpu.memref_slice %arg4[%add3A_257, %dma_start3A_265] : memref<32768x1024xf32, #tpu.memory_space<hbm>> -> memref<8x1024xf32, #tpu.memory_space<hbm>>
      %dma_start3A_267 = arith.constant 0 : i32
      %dma_start3A_268 = arith.constant 0 : i32
      %dma_start3A_269 = tpu.memref_slice %arg6[%dma_start3A_258, %dma_start3A_267, %dma_start3A_268] : memref<8x8x1024xf32, #tpu.memory_space<vmem>> -> memref<1x8x1024xf32, #tpu.memory_space<vmem>>
      %dma_start3A_270 = tpu.memref_squeeze %dma_start3A_269 : memref<1x8x1024xf32, #tpu.memory_space<vmem>> -> memref<8x1024xf32, #tpu.memory_space<vmem>>
      tpu.enqueue_dma source(%dma_start3A_270 : memref<8x1024xf32, #tpu.memory_space<vmem>>) target(%dma_start3A_266 : memref<8x1024xf32, #tpu.memory_space<hbm>>) target_semaphore(%arg19 : memref<!tpu.dma_semaphore, #tpu.memory_space<semaphore_mem>>)
      %add3A_271 = arith.constant 5 : i32
      %add3A_272 = arith.addi %add3A_106, %add3A_271 : i32
      %dma_wait3A_273 = arith.constant 5 : i32
      %dma_wait3A_274 = arith.constant 0 : i32
      %dma_wait3A_275 = arith.constant 0 : i32
      %dma_wait3A_276 = tpu.memref_slice %arg6[%dma_wait3A_273, %dma_wait3A_274, %dma_wait3A_275] : memref<8x8x1024xf32, #tpu.memory_space<vmem>> -> memref<1x8x1024xf32, #tpu.memory_space<vmem>>
      %dma_wait3A_277 = tpu.memref_squeeze %dma_wait3A_276 : memref<1x8x1024xf32, #tpu.memory_space<vmem>> -> memref<8x1024xf32, #tpu.memory_space<vmem>>
      %dma_wait3A_278 = arith.constant 0 : i32
      %dma_wait3A_279 = arith.constant 0 : i32
      %dma_wait3A_280 = tpu.memref_slice %arg2[%dma_wait3A_278, %dma_wait3A_279] : memref<8192x1024xf32, #tpu.memory_space<hbm>> -> memref<8x1024xf32, #tpu.memory_space<hbm>>
      %dma_wait3A_281 = arith.constant 0 : i32
      %dma_wait3A_282 = arith.constant 0 : i32
      %dma_wait3A_283 = tpu.memref_slice %arg6[%dma_wait3A_273, %dma_wait3A_281, %dma_wait3A_282] : memref<8x8x1024xf32, #tpu.memory_space<vmem>> -> memref<1x8x1024xf32, #tpu.memory_space<vmem>>
      %dma_wait3A_284 = tpu.memref_squeeze %dma_wait3A_283 : memref<1x8x1024xf32, #tpu.memory_space<vmem>> -> memref<8x1024xf32, #tpu.memory_space<vmem>>
      %dma_wait3A_285 = arith.constant 0 : i32
      %dma_wait3A_286 = arith.constant 0 : i32
      %dma_wait3A_287 = tpu.memref_slice %arg2[%dma_wait3A_285, %dma_wait3A_286] : memref<8192x1024xf32, #tpu.memory_space<hbm>> -> memref<8x1024xf32, #tpu.memory_space<hbm>>
      tpu.wait_dma2 semaphore(%arg12 : memref<!tpu.dma_semaphore, #tpu.memory_space<semaphore_mem>>) src(%dma_wait3A_287 : memref<8x1024xf32, #tpu.memory_space<hbm>>) dst(%dma_wait3A_284 : memref<8x1024xf32, #tpu.memory_space<vmem>>)
      %mul3A_288 = arith.constant 8 : i32
      %mul3A_289 = arith.muli %add3A_272, %mul3A_288 : i32
      %add3A_290 = arith.addi %mul3A_2, %mul3A_289 : i32
      %dma_start3A_291 = arith.constant 5 : i32
      %dma_start3A_292 = arith.constant 0 : i32
      %dma_start3A_293 = arith.constant 0 : i32
      %dma_start3A_294 = tpu.memref_slice %arg6[%dma_start3A_291, %dma_start3A_292, %dma_start3A_293] : memref<8x8x1024xf32, #tpu.memory_space<vmem>> -> memref<1x8x1024xf32, #tpu.memory_space<vmem>>
      %dma_start3A_295 = tpu.memref_squeeze %dma_start3A_294 : memref<1x8x1024xf32, #tpu.memory_space<vmem>> -> memref<8x1024xf32, #tpu.memory_space<vmem>>
      %dma_start3A_296 = arith.constant 0 : i32
      %dma_start3A_297 = tpu.memref_slice %arg4[%add3A_290, %dma_start3A_296] : memref<32768x1024xf32, #tpu.memory_space<hbm>> -> memref<8x1024xf32, #tpu.memory_space<hbm>>
      %dma_start3A_298 = arith.constant 0 : i32
      %dma_start3A_299 = tpu.memref_slice %arg4[%add3A_290, %dma_start3A_298] : memref<32768x1024xf32, #tpu.memory_space<hbm>> -> memref<8x1024xf32, #tpu.memory_space<hbm>>
      %dma_start3A_300 = arith.constant 0 : i32
      %dma_start3A_301 = arith.constant 0 : i32
      %dma_start3A_302 = tpu.memref_slice %arg6[%dma_start3A_291, %dma_start3A_300, %dma_start3A_301] : memref<8x8x1024xf32, #tpu.memory_space<vmem>> -> memref<1x8x1024xf32, #tpu.memory_space<vmem>>
      %dma_start3A_303 = tpu.memref_squeeze %dma_start3A_302 : memref<1x8x1024xf32, #tpu.memory_space<vmem>> -> memref<8x1024xf32, #tpu.memory_space<vmem>>
      tpu.enqueue_dma source(%dma_start3A_303 : memref<8x1024xf32, #tpu.memory_space<vmem>>) target(%dma_start3A_299 : memref<8x1024xf32, #tpu.memory_space<hbm>>) target_semaphore(%arg20 : memref<!tpu.dma_semaphore, #tpu.memory_space<semaphore_mem>>)
      %add3A_304 = arith.constant 6 : i32
      %add3A_305 = arith.addi %add3A_106, %add3A_304 : i32
      %dma_wait3A_306 = arith.constant 6 : i32
      %dma_wait3A_307 = arith.constant 0 : i32
      %dma_wait3A_308 = arith.constant 0 : i32
      %dma_wait3A_309 = tpu.memref_slice %arg6[%dma_wait3A_306, %dma_wait3A_307, %dma_wait3A_308] : memref<8x8x1024xf32, #tpu.memory_space<vmem>> -> memref<1x8x1024xf32, #tpu.memory_space<vmem>>
      %dma_wait3A_310 = tpu.memref_squeeze %dma_wait3A_309 : memref<1x8x1024xf32, #tpu.memory_space<vmem>> -> memref<8x1024xf32, #tpu.memory_space<vmem>>
      %dma_wait3A_311 = arith.constant 0 : i32
      %dma_wait3A_312 = arith.constant 0 : i32
      %dma_wait3A_313 = tpu.memref_slice %arg2[%dma_wait3A_311, %dma_wait3A_312] : memref<8192x1024xf32, #tpu.memory_space<hbm>> -> memref<8x1024xf32, #tpu.memory_space<hbm>>
      %dma_wait3A_314 = arith.constant 0 : i32
      %dma_wait3A_315 = arith.constant 0 : i32
      %dma_wait3A_316 = tpu.memref_slice %arg6[%dma_wait3A_306, %dma_wait3A_314, %dma_wait3A_315] : memref<8x8x1024xf32, #tpu.memory_space<vmem>> -> memref<1x8x1024xf32, #tpu.memory_space<vmem>>
      %dma_wait3A_317 = tpu.memref_squeeze %dma_wait3A_316 : memref<1x8x1024xf32, #tpu.memory_space<vmem>> -> memref<8x1024xf32, #tpu.memory_space<vmem>>
      %dma_wait3A_318 = arith.constant 0 : i32
      %dma_wait3A_319 = arith.constant 0 : i32
      %dma_wait3A_320 = tpu.memref_slice %arg2[%dma_wait3A_318, %dma_wait3A_319] : memref<8192x1024xf32, #tpu.memory_space<hbm>> -> memref<8x1024xf32, #tpu.memory_space<hbm>>
      tpu.wait_dma2 semaphore(%arg13 : memref<!tpu.dma_semaphore, #tpu.memory_space<semaphore_mem>>) src(%dma_wait3A_320 : memref<8x1024xf32, #tpu.memory_space<hbm>>) dst(%dma_wait3A_317 : memref<8x1024xf32, #tpu.memory_space<vmem>>)
      %mul3A_321 = arith.constant 8 : i32
      %mul3A_322 = arith.muli %add3A_305, %mul3A_321 : i32
      %add3A_323 = arith.addi %mul3A_2, %mul3A_322 : i32
      %dma_start3A_324 = arith.constant 6 : i32
      %dma_start3A_325 = arith.constant 0 : i32
      %dma_start3A_326 = arith.constant 0 : i32
      %dma_start3A_327 = tpu.memref_slice %arg6[%dma_start3A_324, %dma_start3A_325, %dma_start3A_326] : memref<8x8x1024xf32, #tpu.memory_space<vmem>> -> memref<1x8x1024xf32, #tpu.memory_space<vmem>>
      %dma_start3A_328 = tpu.memref_squeeze %dma_start3A_327 : memref<1x8x1024xf32, #tpu.memory_space<vmem>> -> memref<8x1024xf32, #tpu.memory_space<vmem>>
      %dma_start3A_329 = arith.constant 0 : i32
      %dma_start3A_330 = tpu.memref_slice %arg4[%add3A_323, %dma_start3A_329] : memref<32768x1024xf32, #tpu.memory_space<hbm>> -> memref<8x1024xf32, #tpu.memory_space<hbm>>
      %dma_start3A_331 = arith.constant 0 : i32
      %dma_start3A_332 = tpu.memref_slice %arg4[%add3A_323, %dma_start3A_331] : memref<32768x1024xf32, #tpu.memory_space<hbm>> -> memref<8x1024xf32, #tpu.memory_space<hbm>>
      %dma_start3A_333 = arith.constant 0 : i32
      %dma_start3A_334 = arith.constant 0 : i32
      %dma_start3A_335 = tpu.memref_slice %arg6[%dma_start3A_324, %dma_start3A_333, %dma_start3A_334] : memref<8x8x1024xf32, #tpu.memory_space<vmem>> -> memref<1x8x1024xf32, #tpu.memory_space<vmem>>
      %dma_start3A_336 = tpu.memref_squeeze %dma_start3A_335 : memref<1x8x1024xf32, #tpu.memory_space<vmem>> -> memref<8x1024xf32, #tpu.memory_space<vmem>>
      tpu.enqueue_dma source(%dma_start3A_336 : memref<8x1024xf32, #tpu.memory_space<vmem>>) target(%dma_start3A_332 : memref<8x1024xf32, #tpu.memory_space<hbm>>) target_semaphore(%arg21 : memref<!tpu.dma_semaphore, #tpu.memory_space<semaphore_mem>>)
      %add3A_337 = arith.constant 7 : i32
      %add3A_338 = arith.addi %add3A_106, %add3A_337 : i32
      %dma_wait3A_339 = arith.constant 7 : i32
      %dma_wait3A_340 = arith.constant 0 : i32
      %dma_wait3A_341 = arith.constant 0 : i32
      %dma_wait3A_342 = tpu.memref_slice %arg6[%dma_wait3A_339, %dma_wait3A_340, %dma_wait3A_341] : memref<8x8x1024xf32, #tpu.memory_space<vmem>> -> memref<1x8x1024xf32, #tpu.memory_space<vmem>>
      %dma_wait3A_343 = tpu.memref_squeeze %dma_wait3A_342 : memref<1x8x1024xf32, #tpu.memory_space<vmem>> -> memref<8x1024xf32, #tpu.memory_space<vmem>>
      %dma_wait3A_344 = arith.constant 0 : i32
      %dma_wait3A_345 = arith.constant 0 : i32
      %dma_wait3A_346 = tpu.memref_slice %arg2[%dma_wait3A_344, %dma_wait3A_345] : memref<8192x1024xf32, #tpu.memory_space<hbm>> -> memref<8x1024xf32, #tpu.memory_space<hbm>>
      %dma_wait3A_347 = arith.constant 0 : i32
      %dma_wait3A_348 = arith.constant 0 : i32
      %dma_wait3A_349 = tpu.memref_slice %arg6[%dma_wait3A_339, %dma_wait3A_347, %dma_wait3A_348] : memref<8x8x1024xf32, #tpu.memory_space<vmem>> -> memref<1x8x1024xf32, #tpu.memory_space<vmem>>
      %dma_wait3A_350 = tpu.memref_squeeze %dma_wait3A_349 : memref<1x8x1024xf32, #tpu.memory_space<vmem>> -> memref<8x1024xf32, #tpu.memory_space<vmem>>
      %dma_wait3A_351 = arith.constant 0 : i32
      %dma_wait3A_352 = arith.constant 0 : i32
      %dma_wait3A_353 = tpu.memref_slice %arg2[%dma_wait3A_351, %dma_wait3A_352] : memref<8192x1024xf32, #tpu.memory_space<hbm>> -> memref<8x1024xf32, #tpu.memory_space<hbm>>
      tpu.wait_dma2 semaphore(%arg14 : memref<!tpu.dma_semaphore, #tpu.memory_space<semaphore_mem>>) src(%dma_wait3A_353 : memref<8x1024xf32, #tpu.memory_space<hbm>>) dst(%dma_wait3A_350 : memref<8x1024xf32, #tpu.memory_space<vmem>>)
      %mul3A_354 = arith.constant 8 : i32
      %mul3A_355 = arith.muli %add3A_338, %mul3A_354 : i32
      %add3A_356 = arith.addi %mul3A_2, %mul3A_355 : i32
      %dma_start3A_357 = arith.constant 7 : i32
      %dma_start3A_358 = arith.constant 0 : i32
      %dma_start3A_359 = arith.constant 0 : i32
      %dma_start3A_360 = tpu.memref_slice %arg6[%dma_start3A_357, %dma_start3A_358, %dma_start3A_359] : memref<8x8x1024xf32, #tpu.memory_space<vmem>> -> memref<1x8x1024xf32, #tpu.memory_space<vmem>>
      %dma_start3A_361 = tpu.memref_squeeze %dma_start3A_360 : memref<1x8x1024xf32, #tpu.memory_space<vmem>> -> memref<8x1024xf32, #tpu.memory_space<vmem>>
      %dma_start3A_362 = arith.constant 0 : i32
      %dma_start3A_363 = tpu.memref_slice %arg4[%add3A_356, %dma_start3A_362] : memref<32768x1024xf32, #tpu.memory_space<hbm>> -> memref<8x1024xf32, #tpu.memory_space<hbm>>
      %dma_start3A_364 = arith.constant 0 : i32
      %dma_start3A_365 = tpu.memref_slice %arg4[%add3A_356, %dma_start3A_364] : memref<32768x1024xf32, #tpu.memory_space<hbm>> -> memref<8x1024xf32, #tpu.memory_space<hbm>>
      %dma_start3A_366 = arith.constant 0 : i32
      %dma_start3A_367 = arith.constant 0 : i32
      %dma_start3A_368 = tpu.memref_slice %arg6[%dma_start3A_357, %dma_start3A_366, %dma_start3A_367] : memref<8x8x1024xf32, #tpu.memory_space<vmem>> -> memref<1x8x1024xf32, #tpu.memory_space<vmem>>
      %dma_start3A_369 = tpu.memref_squeeze %dma_start3A_368 : memref<1x8x1024xf32, #tpu.memory_space<vmem>> -> memref<8x1024xf32, #tpu.memory_space<vmem>>
      tpu.enqueue_dma source(%dma_start3A_369 : memref<8x1024xf32, #tpu.memory_space<vmem>>) target(%dma_start3A_365 : memref<8x1024xf32, #tpu.memory_space<hbm>>) target_semaphore(%arg22 : memref<!tpu.dma_semaphore, #tpu.memory_space<semaphore_mem>>)
      %add3A_370 = arith.constant 0 : i32
      %add3A_371 = arith.addi %add3A_106, %add3A_370 : i32
      %dma_wait3A_372 = arith.constant 0 : i32
      %dma_wait3A_373 = arith.constant 0 : i32
      %dma_wait3A_374 = arith.constant 0 : i32
      %dma_wait3A_375 = tpu.memref_slice %arg6[%dma_wait3A_372, %dma_wait3A_373, %dma_wait3A_374] : memref<8x8x1024xf32, #tpu.memory_space<vmem>> -> memref<1x8x1024xf32, #tpu.memory_space<vmem>>
      %dma_wait3A_376 = tpu.memref_squeeze %dma_wait3A_375 : memref<1x8x1024xf32, #tpu.memory_space<vmem>> -> memref<8x1024xf32, #tpu.memory_space<vmem>>
      %dma_wait3A_377 = arith.constant 0 : i32
      %dma_wait3A_378 = tpu.memref_slice %arg4[%add3A_125, %dma_wait3A_377] : memref<32768x1024xf32, #tpu.memory_space<hbm>> -> memref<8x1024xf32, #tpu.memory_space<hbm>>
      %dma_wait3A_379 = arith.constant 0 : i32
      %dma_wait3A_380 = tpu.memref_slice %arg4[%add3A_125, %dma_wait3A_379] : memref<32768x1024xf32, #tpu.memory_space<hbm>> -> memref<8x1024xf32, #tpu.memory_space<hbm>>
      %dma_wait3A_381 = arith.constant 0 : i32
      %dma_wait3A_382 = arith.constant 0 : i32
      %dma_wait3A_383 = tpu.memref_slice %arg6[%dma_wait3A_372, %dma_wait3A_381, %dma_wait3A_382] : memref<8x8x1024xf32, #tpu.memory_space<vmem>> -> memref<1x8x1024xf32, #tpu.memory_space<vmem>>
      %dma_wait3A_384 = tpu.memref_squeeze %dma_wait3A_383 : memref<1x8x1024xf32, #tpu.memory_space<vmem>> -> memref<8x1024xf32, #tpu.memory_space<vmem>>
      tpu.wait_dma2 semaphore(%arg15 : memref<!tpu.dma_semaphore, #tpu.memory_space<semaphore_mem>>) src(%dma_wait3A_384 : memref<8x1024xf32, #tpu.memory_space<vmem>>) dst(%dma_wait3A_380 : memref<8x1024xf32, #tpu.memory_space<hbm>>)
      %add3A_385 = arith.constant 8 : i32
      %add3A_386 = arith.addi %add3A_371, %add3A_385 : i32
      %lt3A = arith.constant 128 : i32
      %lt3A_387 = arith.cmpi slt, %add3A_386, %lt3A : i32
      %convert_element_type3A = arith.extui %lt3A_387 : i1 to i32
      %cond3A = arith.constant 0 : i32
      %cond3A_388 = arith.cmpi ne, %convert_element_type3A, %cond3A : i32
      scf.if %cond3A_388 {
        %dma_start3A_543 = arith.constant 0 : i32
        %dma_start3A_544 = arith.constant 0 : i32
        %dma_start3A_545 = arith.constant 0 : i32
        %dma_start3A_546 = tpu.memref_slice %arg6[%dma_start3A_543, %dma_start3A_544, %dma_start3A_545] : memref<8x8x1024xf32, #tpu.memory_space<vmem>> -> memref<1x8x1024xf32, #tpu.memory_space<vmem>>
        %dma_start3A_547 = tpu.memref_squeeze %dma_start3A_546 : memref<1x8x1024xf32, #tpu.memory_space<vmem>> -> memref<8x1024xf32, #tpu.memory_space<vmem>>
        %dma_start3A_548 = arith.constant 0 : i32
        %dma_start3A_549 = tpu.memref_slice %arg5[%add3A_386, %dma_start3A_548] : memref<128x8xi32, #tpu.memory_space<vmem>> -> memref<1x8xi32, #tpu.memory_space<vmem>>
        %dma_start3A_550 = tpu.memref_squeeze %dma_start3A_549 : memref<1x8xi32, #tpu.memory_space<vmem>> -> memref<8xi32, #tpu.memory_space<vmem>>
        %dma_start3A_551 = arith.constant 0 : i32
        %dma_start3A_552 = arith.constant 0 : i32
        %dma_start3A_553 = tpu.memref_slice %arg2[%dma_start3A_551, %dma_start3A_552] : memref<8192x1024xf32, #tpu.memory_space<hbm>> -> memref<8192x1024xf32, #tpu.memory_space<hbm>>
        tpu.enqueue_indirect_dma source(%dma_start3A_553 : memref<8192x1024xf32, #tpu.memory_space<hbm>>) target(%dma_start3A_547 : memref<8x1024xf32, #tpu.memory_space<vmem>>) offsets(%dma_start3A_550 : memref<8xi32, #tpu.memory_space<vmem>>) semaphore(%arg7 : memref<!tpu.dma_semaphore, #tpu.memory_space<semaphore_mem>>)
      } else {
      }
      %add3A_389 = arith.constant 1 : i32
      %add3A_390 = arith.addi %add3A_106, %add3A_389 : i32
      %dma_wait3A_391 = arith.constant 1 : i32
      %dma_wait3A_392 = arith.constant 0 : i32
      %dma_wait3A_393 = arith.constant 0 : i32
      %dma_wait3A_394 = tpu.memref_slice %arg6[%dma_wait3A_391, %dma_wait3A_392, %dma_wait3A_393] : memref<8x8x1024xf32, #tpu.memory_space<vmem>> -> memref<1x8x1024xf32, #tpu.memory_space<vmem>>
      %dma_wait3A_395 = tpu.memref_squeeze %dma_wait3A_394 : memref<1x8x1024xf32, #tpu.memory_space<vmem>> -> memref<8x1024xf32, #tpu.memory_space<vmem>>
      %dma_wait3A_396 = arith.constant 0 : i32
      %dma_wait3A_397 = tpu.memref_slice %arg4[%add3A_158, %dma_wait3A_396] : memref<32768x1024xf32, #tpu.memory_space<hbm>> -> memref<8x1024xf32, #tpu.memory_space<hbm>>
      %dma_wait3A_398 = arith.constant 0 : i32
      %dma_wait3A_399 = tpu.memref_slice %arg4[%add3A_158, %dma_wait3A_398] : memref<32768x1024xf32, #tpu.memory_space<hbm>> -> memref<8x1024xf32, #tpu.memory_space<hbm>>
      %dma_wait3A_400 = arith.constant 0 : i32
      %dma_wait3A_401 = arith.constant 0 : i32
      %dma_wait3A_402 = tpu.memref_slice %arg6[%dma_wait3A_391, %dma_wait3A_400, %dma_wait3A_401] : memref<8x8x1024xf32, #tpu.memory_space<vmem>> -> memref<1x8x1024xf32, #tpu.memory_space<vmem>>
      %dma_wait3A_403 = tpu.memref_squeeze %dma_wait3A_402 : memref<1x8x1024xf32, #tpu.memory_space<vmem>> -> memref<8x1024xf32, #tpu.memory_space<vmem>>
      tpu.wait_dma2 semaphore(%arg16 : memref<!tpu.dma_semaphore, #tpu.memory_space<semaphore_mem>>) src(%dma_wait3A_403 : memref<8x1024xf32, #tpu.memory_space<vmem>>) dst(%dma_wait3A_399 : memref<8x1024xf32, #tpu.memory_space<hbm>>)
      %add3A_404 = arith.constant 8 : i32
      %add3A_405 = arith.addi %add3A_390, %add3A_404 : i32
      %lt3A_406 = arith.constant 128 : i32
      %lt3A_407 = arith.cmpi slt, %add3A_405, %lt3A_406 : i32
      %convert_element_type3A_408 = arith.extui %lt3A_407 : i1 to i32
      %cond3A_409 = arith.constant 0 : i32
      %cond3A_410 = arith.cmpi ne, %convert_element_type3A_408, %cond3A_409 : i32
      scf.if %cond3A_410 {
        %dma_start3A_543 = arith.constant 1 : i32
        %dma_start3A_544 = arith.constant 0 : i32
        %dma_start3A_545 = arith.constant 0 : i32
        %dma_start3A_546 = tpu.memref_slice %arg6[%dma_start3A_543, %dma_start3A_544, %dma_start3A_545] : memref<8x8x1024xf32, #tpu.memory_space<vmem>> -> memref<1x8x1024xf32, #tpu.memory_space<vmem>>
        %dma_start3A_547 = tpu.memref_squeeze %dma_start3A_546 : memref<1x8x1024xf32, #tpu.memory_space<vmem>> -> memref<8x1024xf32, #tpu.memory_space<vmem>>
        %dma_start3A_548 = arith.constant 0 : i32
        %dma_start3A_549 = tpu.memref_slice %arg5[%add3A_405, %dma_start3A_548] : memref<128x8xi32, #tpu.memory_space<vmem>> -> memref<1x8xi32, #tpu.memory_space<vmem>>
        %dma_start3A_550 = tpu.memref_squeeze %dma_start3A_549 : memref<1x8xi32, #tpu.memory_space<vmem>> -> memref<8xi32, #tpu.memory_space<vmem>>
        %dma_start3A_551 = arith.constant 0 : i32
        %dma_start3A_552 = arith.constant 0 : i32
        %dma_start3A_553 = tpu.memref_slice %arg2[%dma_start3A_551, %dma_start3A_552] : memref<8192x1024xf32, #tpu.memory_space<hbm>> -> memref<8192x1024xf32, #tpu.memory_space<hbm>>
        tpu.enqueue_indirect_dma source(%dma_start3A_553 : memref<8192x1024xf32, #tpu.memory_space<hbm>>) target(%dma_start3A_547 : memref<8x1024xf32, #tpu.memory_space<vmem>>) offsets(%dma_start3A_550 : memref<8xi32, #tpu.memory_space<vmem>>) semaphore(%arg8 : memref<!tpu.dma_semaphore, #tpu.memory_space<semaphore_mem>>)
      } else {
      }
      %add3A_411 = arith.constant 2 : i32
      %add3A_412 = arith.addi %add3A_106, %add3A_411 : i32
      %dma_wait3A_413 = arith.constant 2 : i32
      %dma_wait3A_414 = arith.constant 0 : i32
      %dma_wait3A_415 = arith.constant 0 : i32
      %dma_wait3A_416 = tpu.memref_slice %arg6[%dma_wait3A_413, %dma_wait3A_414, %dma_wait3A_415] : memref<8x8x1024xf32, #tpu.memory_space<vmem>> -> memref<1x8x1024xf32, #tpu.memory_space<vmem>>
      %dma_wait3A_417 = tpu.memref_squeeze %dma_wait3A_416 : memref<1x8x1024xf32, #tpu.memory_space<vmem>> -> memref<8x1024xf32, #tpu.memory_space<vmem>>
      %dma_wait3A_418 = arith.constant 0 : i32
      %dma_wait3A_419 = tpu.memref_slice %arg4[%add3A_191, %dma_wait3A_418] : memref<32768x1024xf32, #tpu.memory_space<hbm>> -> memref<8x1024xf32, #tpu.memory_space<hbm>>
      %dma_wait3A_420 = arith.constant 0 : i32
      %dma_wait3A_421 = tpu.memref_slice %arg4[%add3A_191, %dma_wait3A_420] : memref<32768x1024xf32, #tpu.memory_space<hbm>> -> memref<8x1024xf32, #tpu.memory_space<hbm>>
      %dma_wait3A_422 = arith.constant 0 : i32
      %dma_wait3A_423 = arith.constant 0 : i32
      %dma_wait3A_424 = tpu.memref_slice %arg6[%dma_wait3A_413, %dma_wait3A_422, %dma_wait3A_423] : memref<8x8x1024xf32, #tpu.memory_space<vmem>> -> memref<1x8x1024xf32, #tpu.memory_space<vmem>>
      %dma_wait3A_425 = tpu.memref_squeeze %dma_wait3A_424 : memref<1x8x1024xf32, #tpu.memory_space<vmem>> -> memref<8x1024xf32, #tpu.memory_space<vmem>>
      tpu.wait_dma2 semaphore(%arg17 : memref<!tpu.dma_semaphore, #tpu.memory_space<semaphore_mem>>) src(%dma_wait3A_425 : memref<8x1024xf32, #tpu.memory_space<vmem>>) dst(%dma_wait3A_421 : memref<8x1024xf32, #tpu.memory_space<hbm>>)
      %add3A_426 = arith.constant 8 : i32
      %add3A_427 = arith.addi %add3A_412, %add3A_426 : i32
      %lt3A_428 = arith.constant 128 : i32
      %lt3A_429 = arith.cmpi slt, %add3A_427, %lt3A_428 : i32
      %convert_element_type3A_430 = arith.extui %lt3A_429 : i1 to i32
      %cond3A_431 = arith.constant 0 : i32
      %cond3A_432 = arith.cmpi ne, %convert_element_type3A_430, %cond3A_431 : i32
      scf.if %cond3A_432 {
        %dma_start3A_543 = arith.constant 2 : i32
        %dma_start3A_544 = arith.constant 0 : i32
        %dma_start3A_545 = arith.constant 0 : i32
        %dma_start3A_546 = tpu.memref_slice %arg6[%dma_start3A_543, %dma_start3A_544, %dma_start3A_545] : memref<8x8x1024xf32, #tpu.memory_space<vmem>> -> memref<1x8x1024xf32, #tpu.memory_space<vmem>>
        %dma_start3A_547 = tpu.memref_squeeze %dma_start3A_546 : memref<1x8x1024xf32, #tpu.memory_space<vmem>> -> memref<8x1024xf32, #tpu.memory_space<vmem>>
        %dma_start3A_548 = arith.constant 0 : i32
        %dma_start3A_549 = tpu.memref_slice %arg5[%add3A_427, %dma_start3A_548] : memref<128x8xi32, #tpu.memory_space<vmem>> -> memref<1x8xi32, #tpu.memory_space<vmem>>
        %dma_start3A_550 = tpu.memref_squeeze %dma_start3A_549 : memref<1x8xi32, #tpu.memory_space<vmem>> -> memref<8xi32, #tpu.memory_space<vmem>>
        %dma_start3A_551 = arith.constant 0 : i32
        %dma_start3A_552 = arith.constant 0 : i32
        %dma_start3A_553 = tpu.memref_slice %arg2[%dma_start3A_551, %dma_start3A_552] : memref<8192x1024xf32, #tpu.memory_space<hbm>> -> memref<8192x1024xf32, #tpu.memory_space<hbm>>
        tpu.enqueue_indirect_dma source(%dma_start3A_553 : memref<8192x1024xf32, #tpu.memory_space<hbm>>) target(%dma_start3A_547 : memref<8x1024xf32, #tpu.memory_space<vmem>>) offsets(%dma_start3A_550 : memref<8xi32, #tpu.memory_space<vmem>>) semaphore(%arg9 : memref<!tpu.dma_semaphore, #tpu.memory_space<semaphore_mem>>)
      } else {
      }
      %add3A_433 = arith.constant 3 : i32
      %add3A_434 = arith.addi %add3A_106, %add3A_433 : i32
      %dma_wait3A_435 = arith.constant 3 : i32
      %dma_wait3A_436 = arith.constant 0 : i32
      %dma_wait3A_437 = arith.constant 0 : i32
      %dma_wait3A_438 = tpu.memref_slice %arg6[%dma_wait3A_435, %dma_wait3A_436, %dma_wait3A_437] : memref<8x8x1024xf32, #tpu.memory_space<vmem>> -> memref<1x8x1024xf32, #tpu.memory_space<vmem>>
      %dma_wait3A_439 = tpu.memref_squeeze %dma_wait3A_438 : memref<1x8x1024xf32, #tpu.memory_space<vmem>> -> memref<8x1024xf32, #tpu.memory_space<vmem>>
      %dma_wait3A_440 = arith.constant 0 : i32
      %dma_wait3A_441 = tpu.memref_slice %arg4[%add3A_224, %dma_wait3A_440] : memref<32768x1024xf32, #tpu.memory_space<hbm>> -> memref<8x1024xf32, #tpu.memory_space<hbm>>
      %dma_wait3A_442 = arith.constant 0 : i32
      %dma_wait3A_443 = tpu.memref_slice %arg4[%add3A_224, %dma_wait3A_442] : memref<32768x1024xf32, #tpu.memory_space<hbm>> -> memref<8x1024xf32, #tpu.memory_space<hbm>>
      %dma_wait3A_444 = arith.constant 0 : i32
      %dma_wait3A_445 = arith.constant 0 : i32
      %dma_wait3A_446 = tpu.memref_slice %arg6[%dma_wait3A_435, %dma_wait3A_444, %dma_wait3A_445] : memref<8x8x1024xf32, #tpu.memory_space<vmem>> -> memref<1x8x1024xf32, #tpu.memory_space<vmem>>
      %dma_wait3A_447 = tpu.memref_squeeze %dma_wait3A_446 : memref<1x8x1024xf32, #tpu.memory_space<vmem>> -> memref<8x1024xf32, #tpu.memory_space<vmem>>
      tpu.wait_dma2 semaphore(%arg18 : memref<!tpu.dma_semaphore, #tpu.memory_space<semaphore_mem>>) src(%dma_wait3A_447 : memref<8x1024xf32, #tpu.memory_space<vmem>>) dst(%dma_wait3A_443 : memref<8x1024xf32, #tpu.memory_space<hbm>>)
      %add3A_448 = arith.constant 8 : i32
      %add3A_449 = arith.addi %add3A_434, %add3A_448 : i32
      %lt3A_450 = arith.constant 128 : i32
      %lt3A_451 = arith.cmpi slt, %add3A_449, %lt3A_450 : i32
      %convert_element_type3A_452 = arith.extui %lt3A_451 : i1 to i32
      %cond3A_453 = arith.constant 0 : i32
      %cond3A_454 = arith.cmpi ne, %convert_element_type3A_452, %cond3A_453 : i32
      scf.if %cond3A_454 {
        %dma_start3A_543 = arith.constant 3 : i32
        %dma_start3A_544 = arith.constant 0 : i32
        %dma_start3A_545 = arith.constant 0 : i32
        %dma_start3A_546 = tpu.memref_slice %arg6[%dma_start3A_543, %dma_start3A_544, %dma_start3A_545] : memref<8x8x1024xf32, #tpu.memory_space<vmem>> -> memref<1x8x1024xf32, #tpu.memory_space<vmem>>
        %dma_start3A_547 = tpu.memref_squeeze %dma_start3A_546 : memref<1x8x1024xf32, #tpu.memory_space<vmem>> -> memref<8x1024xf32, #tpu.memory_space<vmem>>
        %dma_start3A_548 = arith.constant 0 : i32
        %dma_start3A_549 = tpu.memref_slice %arg5[%add3A_449, %dma_start3A_548] : memref<128x8xi32, #tpu.memory_space<vmem>> -> memref<1x8xi32, #tpu.memory_space<vmem>>
        %dma_start3A_550 = tpu.memref_squeeze %dma_start3A_549 : memref<1x8xi32, #tpu.memory_space<vmem>> -> memref<8xi32, #tpu.memory_space<vmem>>
        %dma_start3A_551 = arith.constant 0 : i32
        %dma_start3A_552 = arith.constant 0 : i32
        %dma_start3A_553 = tpu.memref_slice %arg2[%dma_start3A_551, %dma_start3A_552] : memref<8192x1024xf32, #tpu.memory_space<hbm>> -> memref<8192x1024xf32, #tpu.memory_space<hbm>>
        tpu.enqueue_indirect_dma source(%dma_start3A_553 : memref<8192x1024xf32, #tpu.memory_space<hbm>>) target(%dma_start3A_547 : memref<8x1024xf32, #tpu.memory_space<vmem>>) offsets(%dma_start3A_550 : memref<8xi32, #tpu.memory_space<vmem>>) semaphore(%arg10 : memref<!tpu.dma_semaphore, #tpu.memory_space<semaphore_mem>>)
      } else {
      }
      %add3A_455 = arith.constant 4 : i32
      %add3A_456 = arith.addi %add3A_106, %add3A_455 : i32
      %dma_wait3A_457 = arith.constant 4 : i32
      %dma_wait3A_458 = arith.constant 0 : i32
      %dma_wait3A_459 = arith.constant 0 : i32
      %dma_wait3A_460 = tpu.memref_slice %arg6[%dma_wait3A_457, %dma_wait3A_458, %dma_wait3A_459] : memref<8x8x1024xf32, #tpu.memory_space<vmem>> -> memref<1x8x1024xf32, #tpu.memory_space<vmem>>
      %dma_wait3A_461 = tpu.memref_squeeze %dma_wait3A_460 : memref<1x8x1024xf32, #tpu.memory_space<vmem>> -> memref<8x1024xf32, #tpu.memory_space<vmem>>
      %dma_wait3A_462 = arith.constant 0 : i32
      %dma_wait3A_463 = tpu.memref_slice %arg4[%add3A_257, %dma_wait3A_462] : memref<32768x1024xf32, #tpu.memory_space<hbm>> -> memref<8x1024xf32, #tpu.memory_space<hbm>>
      %dma_wait3A_464 = arith.constant 0 : i32
      %dma_wait3A_465 = tpu.memref_slice %arg4[%add3A_257, %dma_wait3A_464] : memref<32768x1024xf32, #tpu.memory_space<hbm>> -> memref<8x1024xf32, #tpu.memory_space<hbm>>
      %dma_wait3A_466 = arith.constant 0 : i32
      %dma_wait3A_467 = arith.constant 0 : i32
      %dma_wait3A_468 = tpu.memref_slice %arg6[%dma_wait3A_457, %dma_wait3A_466, %dma_wait3A_467] : memref<8x8x1024xf32, #tpu.memory_space<vmem>> -> memref<1x8x1024xf32, #tpu.memory_space<vmem>>
      %dma_wait3A_469 = tpu.memref_squeeze %dma_wait3A_468 : memref<1x8x1024xf32, #tpu.memory_space<vmem>> -> memref<8x1024xf32, #tpu.memory_space<vmem>>
      tpu.wait_dma2 semaphore(%arg19 : memref<!tpu.dma_semaphore, #tpu.memory_space<semaphore_mem>>) src(%dma_wait3A_469 : memref<8x1024xf32, #tpu.memory_space<vmem>>) dst(%dma_wait3A_465 : memref<8x1024xf32, #tpu.memory_space<hbm>>)
      %add3A_470 = arith.constant 8 : i32
      %add3A_471 = arith.addi %add3A_456, %add3A_470 : i32
      %lt3A_472 = arith.constant 128 : i32
      %lt3A_473 = arith.cmpi slt, %add3A_471, %lt3A_472 : i32
      %convert_element_type3A_474 = arith.extui %lt3A_473 : i1 to i32
      %cond3A_475 = arith.constant 0 : i32
      %cond3A_476 = arith.cmpi ne, %convert_element_type3A_474, %cond3A_475 : i32
      scf.if %cond3A_476 {
        %dma_start3A_543 = arith.constant 4 : i32
        %dma_start3A_544 = arith.constant 0 : i32
        %dma_start3A_545 = arith.constant 0 : i32
        %dma_start3A_546 = tpu.memref_slice %arg6[%dma_start3A_543, %dma_start3A_544, %dma_start3A_545] : memref<8x8x1024xf32, #tpu.memory_space<vmem>> -> memref<1x8x1024xf32, #tpu.memory_space<vmem>>
        %dma_start3A_547 = tpu.memref_squeeze %dma_start3A_546 : memref<1x8x1024xf32, #tpu.memory_space<vmem>> -> memref<8x1024xf32, #tpu.memory_space<vmem>>
        %dma_start3A_548 = arith.constant 0 : i32
        %dma_start3A_549 = tpu.memref_slice %arg5[%add3A_471, %dma_start3A_548] : memref<128x8xi32, #tpu.memory_space<vmem>> -> memref<1x8xi32, #tpu.memory_space<vmem>>
        %dma_start3A_550 = tpu.memref_squeeze %dma_start3A_549 : memref<1x8xi32, #tpu.memory_space<vmem>> -> memref<8xi32, #tpu.memory_space<vmem>>
        %dma_start3A_551 = arith.constant 0 : i32
        %dma_start3A_552 = arith.constant 0 : i32
        %dma_start3A_553 = tpu.memref_slice %arg2[%dma_start3A_551, %dma_start3A_552] : memref<8192x1024xf32, #tpu.memory_space<hbm>> -> memref<8192x1024xf32, #tpu.memory_space<hbm>>
        tpu.enqueue_indirect_dma source(%dma_start3A_553 : memref<8192x1024xf32, #tpu.memory_space<hbm>>) target(%dma_start3A_547 : memref<8x1024xf32, #tpu.memory_space<vmem>>) offsets(%dma_start3A_550 : memref<8xi32, #tpu.memory_space<vmem>>) semaphore(%arg11 : memref<!tpu.dma_semaphore, #tpu.memory_space<semaphore_mem>>)
      } else {
      }
      %add3A_477 = arith.constant 5 : i32
      %add3A_478 = arith.addi %add3A_106, %add3A_477 : i32
      %dma_wait3A_479 = arith.constant 5 : i32
      %dma_wait3A_480 = arith.constant 0 : i32
      %dma_wait3A_481 = arith.constant 0 : i32
      %dma_wait3A_482 = tpu.memref_slice %arg6[%dma_wait3A_479, %dma_wait3A_480, %dma_wait3A_481] : memref<8x8x1024xf32, #tpu.memory_space<vmem>> -> memref<1x8x1024xf32, #tpu.memory_space<vmem>>
      %dma_wait3A_483 = tpu.memref_squeeze %dma_wait3A_482 : memref<1x8x1024xf32, #tpu.memory_space<vmem>> -> memref<8x1024xf32, #tpu.memory_space<vmem>>
      %dma_wait3A_484 = arith.constant 0 : i32
      %dma_wait3A_485 = tpu.memref_slice %arg4[%add3A_290, %dma_wait3A_484] : memref<32768x1024xf32, #tpu.memory_space<hbm>> -> memref<8x1024xf32, #tpu.memory_space<hbm>>
      %dma_wait3A_486 = arith.constant 0 : i32
      %dma_wait3A_487 = tpu.memref_slice %arg4[%add3A_290, %dma_wait3A_486] : memref<32768x1024xf32, #tpu.memory_space<hbm>> -> memref<8x1024xf32, #tpu.memory_space<hbm>>
      %dma_wait3A_488 = arith.constant 0 : i32
      %dma_wait3A_489 = arith.constant 0 : i32
      %dma_wait3A_490 = tpu.memref_slice %arg6[%dma_wait3A_479, %dma_wait3A_488, %dma_wait3A_489] : memref<8x8x1024xf32, #tpu.memory_space<vmem>> -> memref<1x8x1024xf32, #tpu.memory_space<vmem>>
      %dma_wait3A_491 = tpu.memref_squeeze %dma_wait3A_490 : memref<1x8x1024xf32, #tpu.memory_space<vmem>> -> memref<8x1024xf32, #tpu.memory_space<vmem>>
      tpu.wait_dma2 semaphore(%arg20 : memref<!tpu.dma_semaphore, #tpu.memory_space<semaphore_mem>>) src(%dma_wait3A_491 : memref<8x1024xf32, #tpu.memory_space<vmem>>) dst(%dma_wait3A_487 : memref<8x1024xf32, #tpu.memory_space<hbm>>)
      %add3A_492 = arith.constant 8 : i32
      %add3A_493 = arith.addi %add3A_478, %add3A_492 : i32
      %lt3A_494 = arith.constant 128 : i32
      %lt3A_495 = arith.cmpi slt, %add3A_493, %lt3A_494 : i32
      %convert_element_type3A_496 = arith.extui %lt3A_495 : i1 to i32
      %cond3A_497 = arith.constant 0 : i32
      %cond3A_498 = arith.cmpi ne, %convert_element_type3A_496, %cond3A_497 : i32
      scf.if %cond3A_498 {
        %dma_start3A_543 = arith.constant 5 : i32
        %dma_start3A_544 = arith.constant 0 : i32
        %dma_start3A_545 = arith.constant 0 : i32
        %dma_start3A_546 = tpu.memref_slice %arg6[%dma_start3A_543, %dma_start3A_544, %dma_start3A_545] : memref<8x8x1024xf32, #tpu.memory_space<vmem>> -> memref<1x8x1024xf32, #tpu.memory_space<vmem>>
        %dma_start3A_547 = tpu.memref_squeeze %dma_start3A_546 : memref<1x8x1024xf32, #tpu.memory_space<vmem>> -> memref<8x1024xf32, #tpu.memory_space<vmem>>
        %dma_start3A_548 = arith.constant 0 : i32
        %dma_start3A_549 = tpu.memref_slice %arg5[%add3A_493, %dma_start3A_548] : memref<128x8xi32, #tpu.memory_space<vmem>> -> memref<1x8xi32, #tpu.memory_space<vmem>>
        %dma_start3A_550 = tpu.memref_squeeze %dma_start3A_549 : memref<1x8xi32, #tpu.memory_space<vmem>> -> memref<8xi32, #tpu.memory_space<vmem>>
        %dma_start3A_551 = arith.constant 0 : i32
        %dma_start3A_552 = arith.constant 0 : i32
        %dma_start3A_553 = tpu.memref_slice %arg2[%dma_start3A_551, %dma_start3A_552] : memref<8192x1024xf32, #tpu.memory_space<hbm>> -> memref<8192x1024xf32, #tpu.memory_space<hbm>>
        tpu.enqueue_indirect_dma source(%dma_start3A_553 : memref<8192x1024xf32, #tpu.memory_space<hbm>>) target(%dma_start3A_547 : memref<8x1024xf32, #tpu.memory_space<vmem>>) offsets(%dma_start3A_550 : memref<8xi32, #tpu.memory_space<vmem>>) semaphore(%arg12 : memref<!tpu.dma_semaphore, #tpu.memory_space<semaphore_mem>>)
      } else {
      }
      %add3A_499 = arith.constant 6 : i32
      %add3A_500 = arith.addi %add3A_106, %add3A_499 : i32
      %dma_wait3A_501 = arith.constant 6 : i32
      %dma_wait3A_502 = arith.constant 0 : i32
      %dma_wait3A_503 = arith.constant 0 : i32
      %dma_wait3A_504 = tpu.memref_slice %arg6[%dma_wait3A_501, %dma_wait3A_502, %dma_wait3A_503] : memref<8x8x1024xf32, #tpu.memory_space<vmem>> -> memref<1x8x1024xf32, #tpu.memory_space<vmem>>
      %dma_wait3A_505 = tpu.memref_squeeze %dma_wait3A_504 : memref<1x8x1024xf32, #tpu.memory_space<vmem>> -> memref<8x1024xf32, #tpu.memory_space<vmem>>
      %dma_wait3A_506 = arith.constant 0 : i32
      %dma_wait3A_507 = tpu.memref_slice %arg4[%add3A_323, %dma_wait3A_506] : memref<32768x1024xf32, #tpu.memory_space<hbm>> -> memref<8x1024xf32, #tpu.memory_space<hbm>>
      %dma_wait3A_508 = arith.constant 0 : i32
      %dma_wait3A_509 = tpu.memref_slice %arg4[%add3A_323, %dma_wait3A_508] : memref<32768x1024xf32, #tpu.memory_space<hbm>> -> memref<8x1024xf32, #tpu.memory_space<hbm>>
      %dma_wait3A_510 = arith.constant 0 : i32
      %dma_wait3A_511 = arith.constant 0 : i32
      %dma_wait3A_512 = tpu.memref_slice %arg6[%dma_wait3A_501, %dma_wait3A_510, %dma_wait3A_511] : memref<8x8x1024xf32, #tpu.memory_space<vmem>> -> memref<1x8x1024xf32, #tpu.memory_space<vmem>>
      %dma_wait3A_513 = tpu.memref_squeeze %dma_wait3A_512 : memref<1x8x1024xf32, #tpu.memory_space<vmem>> -> memref<8x1024xf32, #tpu.memory_space<vmem>>
      tpu.wait_dma2 semaphore(%arg21 : memref<!tpu.dma_semaphore, #tpu.memory_space<semaphore_mem>>) src(%dma_wait3A_513 : memref<8x1024xf32, #tpu.memory_space<vmem>>) dst(%dma_wait3A_509 : memref<8x1024xf32, #tpu.memory_space<hbm>>)
      %add3A_514 = arith.constant 8 : i32
      %add3A_515 = arith.addi %add3A_500, %add3A_514 : i32
      %lt3A_516 = arith.constant 128 : i32
      %lt3A_517 = arith.cmpi slt, %add3A_515, %lt3A_516 : i32
      %convert_element_type3A_518 = arith.extui %lt3A_517 : i1 to i32
      %cond3A_519 = arith.constant 0 : i32
      %cond3A_520 = arith.cmpi ne, %convert_element_type3A_518, %cond3A_519 : i32
      scf.if %cond3A_520 {
        %dma_start3A_543 = arith.constant 6 : i32
        %dma_start3A_544 = arith.constant 0 : i32
        %dma_start3A_545 = arith.constant 0 : i32
        %dma_start3A_546 = tpu.memref_slice %arg6[%dma_start3A_543, %dma_start3A_544, %dma_start3A_545] : memref<8x8x1024xf32, #tpu.memory_space<vmem>> -> memref<1x8x1024xf32, #tpu.memory_space<vmem>>
        %dma_start3A_547 = tpu.memref_squeeze %dma_start3A_546 : memref<1x8x1024xf32, #tpu.memory_space<vmem>> -> memref<8x1024xf32, #tpu.memory_space<vmem>>
        %dma_start3A_548 = arith.constant 0 : i32
        %dma_start3A_549 = tpu.memref_slice %arg5[%add3A_515, %dma_start3A_548] : memref<128x8xi32, #tpu.memory_space<vmem>> -> memref<1x8xi32, #tpu.memory_space<vmem>>
        %dma_start3A_550 = tpu.memref_squeeze %dma_start3A_549 : memref<1x8xi32, #tpu.memory_space<vmem>> -> memref<8xi32, #tpu.memory_space<vmem>>
        %dma_start3A_551 = arith.constant 0 : i32
        %dma_start3A_552 = arith.constant 0 : i32
        %dma_start3A_553 = tpu.memref_slice %arg2[%dma_start3A_551, %dma_start3A_552] : memref<8192x1024xf32, #tpu.memory_space<hbm>> -> memref<8192x1024xf32, #tpu.memory_space<hbm>>
        tpu.enqueue_indirect_dma source(%dma_start3A_553 : memref<8192x1024xf32, #tpu.memory_space<hbm>>) target(%dma_start3A_547 : memref<8x1024xf32, #tpu.memory_space<vmem>>) offsets(%dma_start3A_550 : memref<8xi32, #tpu.memory_space<vmem>>) semaphore(%arg13 : memref<!tpu.dma_semaphore, #tpu.memory_space<semaphore_mem>>)
      } else {
      }
      %add3A_521 = arith.constant 7 : i32
      %add3A_522 = arith.addi %add3A_106, %add3A_521 : i32
      %dma_wait3A_523 = arith.constant 7 : i32
      %dma_wait3A_524 = arith.constant 0 : i32
      %dma_wait3A_525 = arith.constant 0 : i32
      %dma_wait3A_526 = tpu.memref_slice %arg6[%dma_wait3A_523, %dma_wait3A_524, %dma_wait3A_525] : memref<8x8x1024xf32, #tpu.memory_space<vmem>> -> memref<1x8x1024xf32, #tpu.memory_space<vmem>>
      %dma_wait3A_527 = tpu.memref_squeeze %dma_wait3A_526 : memref<1x8x1024xf32, #tpu.memory_space<vmem>> -> memref<8x1024xf32, #tpu.memory_space<vmem>>
      %dma_wait3A_528 = arith.constant 0 : i32
      %dma_wait3A_529 = tpu.memref_slice %arg4[%add3A_356, %dma_wait3A_528] : memref<32768x1024xf32, #tpu.memory_space<hbm>> -> memref<8x1024xf32, #tpu.memory_space<hbm>>
      %dma_wait3A_530 = arith.constant 0 : i32
      %dma_wait3A_531 = tpu.memref_slice %arg4[%add3A_356, %dma_wait3A_530] : memref<32768x1024xf32, #tpu.memory_space<hbm>> -> memref<8x1024xf32, #tpu.memory_space<hbm>>
      %dma_wait3A_532 = arith.constant 0 : i32
      %dma_wait3A_533 = arith.constant 0 : i32
      %dma_wait3A_534 = tpu.memref_slice %arg6[%dma_wait3A_523, %dma_wait3A_532, %dma_wait3A_533] : memref<8x8x1024xf32, #tpu.memory_space<vmem>> -> memref<1x8x1024xf32, #tpu.memory_space<vmem>>
      %dma_wait3A_535 = tpu.memref_squeeze %dma_wait3A_534 : memref<1x8x1024xf32, #tpu.memory_space<vmem>> -> memref<8x1024xf32, #tpu.memory_space<vmem>>
      tpu.wait_dma2 semaphore(%arg22 : memref<!tpu.dma_semaphore, #tpu.memory_space<semaphore_mem>>) src(%dma_wait3A_535 : memref<8x1024xf32, #tpu.memory_space<vmem>>) dst(%dma_wait3A_531 : memref<8x1024xf32, #tpu.memory_space<hbm>>)
      %add3A_536 = arith.constant 8 : i32
      %add3A_537 = arith.addi %add3A_522, %add3A_536 : i32
      %lt3A_538 = arith.constant 128 : i32
      %lt3A_539 = arith.cmpi slt, %add3A_537, %lt3A_538 : i32
      %convert_element_type3A_540 = arith.extui %lt3A_539 : i1 to i32
      %cond3A_541 = arith.constant 0 : i32
      %cond3A_542 = arith.cmpi ne, %convert_element_type3A_540, %cond3A_541 : i32
      scf.if %cond3A_542 {
        %dma_start3A_543 = arith.constant 7 : i32
        %dma_start3A_544 = arith.constant 0 : i32
        %dma_start3A_545 = arith.constant 0 : i32
        %dma_start3A_546 = tpu.memref_slice %arg6[%dma_start3A_543, %dma_start3A_544, %dma_start3A_545] : memref<8x8x1024xf32, #tpu.memory_space<vmem>> -> memref<1x8x1024xf32, #tpu.memory_space<vmem>>
        %dma_start3A_547 = tpu.memref_squeeze %dma_start3A_546 : memref<1x8x1024xf32, #tpu.memory_space<vmem>> -> memref<8x1024xf32, #tpu.memory_space<vmem>>
        %dma_start3A_548 = arith.constant 0 : i32
        %dma_start3A_549 = tpu.memref_slice %arg5[%add3A_537, %dma_start3A_548] : memref<128x8xi32, #tpu.memory_space<vmem>> -> memref<1x8xi32, #tpu.memory_space<vmem>>
        %dma_start3A_550 = tpu.memref_squeeze %dma_start3A_549 : memref<1x8xi32, #tpu.memory_space<vmem>> -> memref<8xi32, #tpu.memory_space<vmem>>
        %dma_start3A_551 = arith.constant 0 : i32
        %dma_start3A_552 = arith.constant 0 : i32
        %dma_start3A_553 = tpu.memref_slice %arg2[%dma_start3A_551, %dma_start3A_552] : memref<8192x1024xf32, #tpu.memory_space<hbm>> -> memref<8192x1024xf32, #tpu.memory_space<hbm>>
        tpu.enqueue_indirect_dma source(%dma_start3A_553 : memref<8192x1024xf32, #tpu.memory_space<hbm>>) target(%dma_start3A_547 : memref<8x1024xf32, #tpu.memory_space<vmem>>) offsets(%dma_start3A_550 : memref<8xi32, #tpu.memory_space<vmem>>) semaphore(%arg14 : memref<!tpu.dma_semaphore, #tpu.memory_space<semaphore_mem>>)
      } else {
      }
    }
    %scan3A_101 = arith.constant 16 : i32
    return
  }
}

</mosaic_0001>

<sc_bundles>
// kernel: kernel.3.cloned.1.call-start
scs
__scs_entry_jumppad:
0x0: {  	(pc) =	sbr.rel $0x88, $3  }
0x1: {  	(tag) =	ssettag $0x0;
	lr =	simm.s32 $0x1  }
0x2: {  	[smem:$0x3F9F] =	sst lr;
	_ =	strace $0xD0000000  }
0x3: {  	_ = 	snop  }
0x4: {  	_ = 	snop  }
0x5: {  	_ = 	snop  }
0x6: {  	_ = 	snop  }
0x7: {  	_ = 	snop  }
__scs_overlays_trampoline_lowered:
0x8: {  	[smem:$0x3FAE] =	sst s0  }
0x9: {  	[smem:$0x3FAF] =	sst s1  }
0xa: {  	[smem:$0x3FB0] =	sst s2  }
0xb: {  	[smem:$0x3FB1] =	sst s3  }
0xc: {  	[smem:$0x3FB2] =	sst s4  }
0xd: {  	[smem:$0x3FB3] =	sst s5  }
0xe: {  	[smem:$0x3FB4] =	sst s6  }
0xf: {  	[smem:$0x3FB5] =	sst s7  }
0x10: {  	[smem:$0x3FB6] =	sst s8  }
0x11: {  	[smem:$0x3FB7] =	sst s9;
	s0 =	simm.s32 @!p0 $0x0  }
0x12: {  	s1 =	sld [smem:$0x3F9D];
	s0 =	simm.s32 @p0 $0x1  }
0x13: {  	[smem:$0x3FB8] =	sst s0;
	s0 =	simm.s32 @!p1 $0x0  }
0x14: {  	s2 =	sld [smem:$0x3F9C];
	s0 =	simm.s32 @p1 $0x1  }
0x15: {  	[smem:$0x3FB9] =	sst s0;
	s0 =	simm.s32 @!p2 $0x0  }
0x16: {  	s3 =	sld [smem:$0x3FDB];
	s0 =	simm.s32 @p2 $0x1  }
0x17: {  	s4 =	simm.s32 $0x1BF5;
	[smem:$0x3FBB] =	sst s0  }
0x18: {  	s0 =	sld [smem:$0x3F9E];
	_ =	swait.ge [sflag:s4], $0x0  }
0x19: {  	s7 =	sld [smem:$0x3F9F]  }
0x1a: {  	s8 =	sadd.s32 $0xFFFFE003, lr  }
0x1b: {  	s9 =	sadd.s32 $0xFFFFFEF7, lr;
	s5 =	simm.s32 $0xFFFFFFFF;
	p2 =	slt.u32 s8, $0xFFFFF086  }
0x1c: {  	p1 =	slt.u32 s9, $0xF7A;
	s5 =	simm.s32 @!p2 $0x0  }
0x1d: {  	s5 =	simm.s32 @p1 $0x1;
	p0 =	seq.s32 s7, s2  }
0x1e: {  	s7 =	smul.u32 @!p0 $0xF7A, s2;
	p2 =	seq.s32 @!p0 s5, $0x0  }
0x1f: {  	s9 =	smul.u32 $0xF7A, s1;
	s8 =	simm.s32 @!p0 $0x1BF5;
	p2 =	por !p2, p0  }
0x20: {  	[sflag:s8] =	ssyncset.s32 @!p0 $0xFFFFF086;
	s6 =	sadd.s32 @!p0 s3, s7;
	s7 =	simm.s32 @!p0 $0x108  }
0x21: {  	s3 =	sadd.s32 s3, s9;
	s6 =	sadd.s32 @!p0 $0x88, s6;
	s7 =	simm.s32 @p2 $0x1082  }
0x22: {  	[simem:s7], [sflag:s8] =	dma.local @!p0 [hbm:s6], $0xF7A  }
0x23: {  	s9 =	sor.u32 $0xD0000000, s2;
	s6 =	simm.s32 $0x108;
	_ =	swait.ge @!p0 [sflag:s8], $0x0  }
0x24: {  	s3 =	sadd.s32 $0x88, s3;
	s6 =	simm.s32 @!p1 $0x1082;
	[sflag:s4] =	ssyncset.s32 $0xFFFFF086  }
0x25: {  	[simem:s6], [sflag:s4] =	dma.local [hbm:s3], $0xF7A  }
0x26: {  	[smem:$0x3F9F] =	sst s1;
	(tag) =	ssettag s2;
	_ =	strace s9  }
0x27: {  	s1 =	sld [smem:$0x3FAF]  }
0x28: {  	s2 =	sld [smem:$0x3FB0]  }
0x29: {  	s4 =	sld [smem:$0x3FB2]  }
0x2a: {  	p0 =	seq.s32 s5, $0x0;
	s5 =	sld [smem:$0x3FB3]  }
0x2b: {  	s6 =	sld [smem:$0x3FB4]  }
0x2c: {  	s7 =	sld [smem:$0x3FB5]  }
0x2d: {  	s3 =	simm.s32 $0x108;
	s8 =	sld [smem:$0x3FB6]  }
0x2e: {  	s3 =	simm.s32 @!p0 $0x1082;
	s9 =	sld [smem:$0x3FB7]  }
0x2f: {  	lr =	sadd.s32 s0, s3;
	s0 =	sld [smem:$0x3FAE]  }
0x30: {  	s3 =	sld [smem:$0x3FB1]  }
0x31: {  	[smem:$0x3FBA] =	sst s10  }
0x32: {  	s10 =	sld [smem:$0x3FB8];
	_ =	sdelay $0x3  }
0x33: {  	p0 =	seq.s32 s10, $0x1;
	s10 =	sld [smem:$0x3FBA];
	_ =	sdelay $0x3  }
0x34: {  	[smem:$0x3FBA] =	sst s10  }
0x35: {  	s10 =	sld [smem:$0x3FB9];
	_ =	sdelay $0x3  }
0x36: {  	p1 =	seq.s32 s10, $0x1;
	s10 =	sld [smem:$0x3FBA];
	_ =	sdelay $0x3  }
0x37: {  	[smem:$0x3FBA] =	sst s10  }
0x38: {  	s10 =	sld [smem:$0x3FBB]  }
0x39: {  	_ = 	snop;
	(pc) =	sbr.ind lr, $3  }
0x3a: {  	_ = 	snop  }
0x3b: {  	_ = 	snop  }
0x3c: {  	p2 =	seq.s32 s10, $0x1;
	s10 =	sld [smem:$0x3FBA]  }
0x3d: {  	_ =	shalt  }
0x3e: {  	_ =	shalt  }
0x3f: {  	_ =	shalt  }
0x40: {  	_ =	shalt  }
0x41: {  	_ =	shalt  }
0x42: {  	_ =	shalt  }
0x43: {  	_ =	shalt  }
0x44: {  	_ =	shalt  }
0x45: {  	_ =	shalt  }
0x46: {  	_ =	shalt  }
0x47: {  	_ =	shalt  }
0x48: {  	_ =	shalt  }
0x49: {  	_ =	shalt  }
0x4a: {  	_ =	shalt  }
0x4b: {  	_ =	shalt  }
0x4c: {  	_ =	shalt  }
0x4d: {  	_ =	shalt  }
0x4e: {  	_ =	shalt  }
0x4f: {  	_ =	shalt  }
0x50: {  	_ =	shalt  }
0x51: {  	_ =	shalt  }
0x52: {  	_ =	shalt  }
0x53: {  	_ =	shalt  }
0x54: {  	_ =	shalt  }
0x55: {  	_ =	shalt  }
0x56: {  	_ =	shalt  }
0x57: {  	_ =	shalt  }
0x58: {  	_ =	shalt  }
0x59: {  	_ =	shalt  }
0x5a: {  	_ =	shalt  }
0x5b: {  	_ =	shalt  }
0x5c: {  	_ =	shalt  }
0x5d: {  	_ =	shalt  }
0x5e: {  	_ =	shalt  }
0x5f: {  	_ =	shalt  }
0x60: {  	_ =	shalt  }
0x61: {  	_ =	shalt  }
0x62: {  	_ =	shalt  }
0x63: {  	_ =	shalt  }
0x64: {  	_ =	shalt  }
0x65: {  	_ =	shalt  }
0x66: {  	_ =	shalt  }
0x67: {  	_ =	shalt  }
0x68: {  	_ =	shalt  }
0x69: {  	_ =	shalt  }
0x6a: {  	_ =	shalt  }
0x6b: {  	_ =	shalt  }
0x6c: {  	_ =	shalt  }
0x6d: {  	_ =	shalt  }
0x6e: {  	_ =	shalt  }
0x6f: {  	_ =	shalt  }
0x70: {  	_ =	shalt  }
0x71: {  	_ =	shalt  }
0x72: {  	_ =	shalt  }
0x73: {  	_ =	shalt  }
0x74: {  	_ =	shalt  }
0x75: {  	_ =	shalt  }
0x76: {  	_ =	shalt  }
0x77: {  	_ =	shalt  }
0x78: {  	_ =	shalt  }
0x79: {  	_ =	shalt  }
0x7a: {  	_ =	shalt  }
0x7b: {  	_ =	shalt  }
0x7c: {  	_ =	shalt  }
0x7d: {  	_ =	shalt  }
0x7e: {  	_ =	shalt  }
0x7f: {  	_ =	shalt  }
0x80: {  	_ =	shalt  }
0x81: {  	_ =	shalt  }
0x82: {  	_ =	shalt  }
0x83: {  	_ =	shalt  }
0x84: {  	_ =	shalt  }
0x85: {  	_ =	shalt  }
0x86: {  	_ =	shalt  }
0x87: {  	_ =	shalt  }
.Lfunc_end0:
.L_simem_size_0:
called_computation_lowered:
.L_overlay_start_0:
0x88: {  	s2 =	sld [smem:$0x3FD9]  }
0x89: {  	s3 =	sld [smem:$0x3FFE];
	_ =	sdelay $0x1  }
0x8a: {  	s1 =	srdreg.scid  }
0x8b: {  	s0 =	sand.u32 $0x1, s1  }
0x8c: {  	s17 =	sshll.u32 s0, $0xA;
	s2 =	sadd.s32 s3, s2  }
0x8d: {  	s2 =	sadd.s32 s2, s17  }
0x8e: {  	[smem:$0x3FC6] =	sst s2  }
0x8f: {  	_ = 	snop  }
0x90: {  	s2 =	sld [smem:$0x3FC8]  }
0x91: {  	s18 =	sld [smem:$0x3FD0];
	(tm) =	ssettm $0x1  }
0x92: {  	s4 =	sld [smem:$0x3FFB];
	_ =	sdelay $0x3  }
0x93: {  	_ =	strace s4  }
0x94: {  	s4 =	sld [smem:$0x3FFC];
	_ =	sdelay $0x3  }
0x95: {  	_ =	strace s4  }
0x96: {  	s4 =	sld [smem:$0x3FFD];
	_ =	sdelay $0x3  }
0x97: {  	_ =	strace s4  }
0x98: {  	_ =	strace $0x8FFFFFFF  }
0x99: {  	s19 =	sld [smem:$0x3FDB];
	_ =	sdelay $0x1  }
0x9a: {  	s5 =	simm.s32 $_scs_section_size  }
0x9b: {  	s6 =	simm.s32 $_size__tile_overlayer_lowered;
	s7 =	simm.s32 $_tile_overlayer_lowered  }
0x9c: {  	s22 =	simm.s32 $0x1BFF;
	s21 =	sshll.u32 s7, $0x1;
	s4 =	sadd.s32 s5, s19  }
0x9d: {  	s8 =	simm.s32 $0x0;
	s20 =	sshll.u32 s6, $0x1;
	s6 =	sadd.s32 s21, s4  }
0x9e: {  	[timem:s8], [sflag:s22] =	dma.local [hbm:s6], s20  }
0x9f: {  	_ =	swait.ge [sflag:s22], s20  }
0xa0: {  	s5 =	ssub.s32 $0x0, s20;
	[sflag:s22] =	ssyncset.done $0x0  }
0xa1: {  	[sflag:s22] =	ssyncadd.s32 s5;
	_ =	sdelay $0x1  }
0xa2: {  	s23 =	simm.s32 $0x1B8B  }
0xa3: {  	_ =	swait.ge [sflag:s23], $0x1  }
0xa4: {  	[sflag:s23] =	ssyncset.done $0x0  }
0xa5: {  	s25 =	simm.s32 $0x1B8E;
	s24 =	sld [smem:$0x3FFE];
	[sflag:s23] =	ssyncadd.s32 $0xFFFFFFFF  }
0xa6: {  	s26 =	simm.s32 $execute0_lowered;
	[smem:$0x3FD2] =	sst s25  }
0xa7: {  	s6 =	sshll.u32 s26, $0x1;
	_ =	strace $0x80000046;
	[dreg:$0x1] =	wrdreg $0xFFFFFFFF  }
0xa8: {  	s28 =	simm.s32 $_size_execute0_lowered;
	s4 =	sadd.s32 s4, s6;
	[dreg:$0x0] =	wrdreg $0x0  }
0xa9: {  	s6 =	sshll.u32 s28, $0x1;
	[dreg:$0x2] =	wrdreg s4  }
0xaa: {  	[dreg:$0x3] =	wrdreg s6  }
0xab: {  	[dreg:$0x4] =	wrdreg $0xC0  }
0xac: {  	_ =	task [dreg:s8], $0x5FFFF  }
0xad: {  	[dreg:$0x1] =	wrdreg $0xFFFFFFFF  }
0xae: {  	[dreg:$0x0] =	wrdreg $0x60  }
0xaf: {  	[dreg:$0x2] =	wrdreg s2  }
0xb0: {  	[dreg:$0x3] =	wrdreg s24  }
0xb1: {  	[dreg:$0x4] =	wrdreg s18  }
0xb2: {  	[dreg:$0x5] =	wrdreg $0x9  }
0xb3: {  	_ =	task.clear_ibuf [dreg:s8], $0x6FFFF;
	_ =	strace $0x90000046  }
0xb4: {  	s29 =	simm.s32 $0x9;
	_ =	strace $0x80000048  }
0xb5: {  	_ =	swait.ge [sflag:s29], $0x1  }
0xb6: {  	[sflag:s29] =	ssyncadd.s32 $0xFFFFFFFF  }
0xb7: {  	_ =	strace $0x90000048  }
0xb8: {  	_ =	sfence  }
0xb9: {  	s30 =	sld [smem:$0x0];
	_ =	sdelay $0x2  }
0xba: {  	s31 =	sshll.u32 s1, $0xD;
	s1 =	sshrl.u32 s1, $0x2  }
0xbb: {  	s3 =	sand.u32 $0x4000, s31;
	s1 =	sadd.s32 s1, s30  }
0xbc: {  	s0 =	sor.u32 s3, s0;
	s1 =	sshll.u32 s1, $0x11  }
0xbd: {  	s0 =	sor.u32 s1, s0  }
0xbe: {  	s0 =	sadd.s32 $0x8F2B, s0  }
0xbf: {  	[sflag:s0] =	ssyncadd.remote.s32 $0x1  }
0xc0: {  	_ =	sfence.sel $0xFFFF  }
0xc1: {  	[dreg:$0x0] =	wrdreg $0xFFFFFFFF;
	(pc) =	sbr.abs _section_cstart, $3  }
0xc2: {  	[dreg:$0x1] =	wrdreg $0xFFFFFFFF  }
0xc3: {  	_ =	task.clear_ibuf [dreg:s8], $0x2FFFF;
	_ =	strace $0x9FFFFFFF  }
0xc4: {  	(tm) =	ssettm $0x7FFFFFFF  }
0xc5: {  	_ =	shalt  }
tec
execute0_lowered:
.L_overlay_start_1:
0x0: {  	(tag) =	ssettag $0x1  }
0x1: {  	s1 =	rddreg [dreg:$0x0]  }
0x2: {  	s0 =	rddreg [dreg:$0x1]  }
0x3: {  	s2 =	rddreg [dreg:$0x2];
	s3 =	srdreg.scid  }
0x4: {  	s9 =	stileid.u32;
	s15 =	simm.s32 $0x4000;
	s11 =	simm.s32 $0x6000  }
0x5: {  	s19 =	simm.s32 $0x8000;
	s10 =	simm.s32 $0xC000;
	s16 =	simm.s32 $0xE000  }
0x6: {  	s29 =	simm.s32 $0x6;
	s30 =	simm.s32 $0x7;
	s31 =	simm.s32 $0x8  }
0x7: {  	s12 =	simm.s32 $0xC;
	s13 =	simm.s32 $0xD;
	s14 =	simm.s32 $0xE  }
0x8: {  	s17 =	simm.s32 $0xF;
	s18 =	simm.s32 $0x10;
	s20 =	simm.s32 $0x0  }
0x9: {  	s28 =	simm.s32 $0x8000;
	s4 =	sand.u32 $0x1, s3;
	s3 =	simm.s32 $0x0  }
0xa: {  	s5 =	sshll.u32 s9, $0xC;
	s7 =	sadd.s32 $0x300, s1;
	s25 =	sshll.u32 s9, $0x12  }
0xb: {  	s6 =	sshll.u32 s4, $0xB;
	[smem:$0x7FF] =	sst s3;
	s23 =	ssub.s32 $0x2, s4  }
0xc: {  	s26 =	sshll.u32 s4, $0x11;
	s4 =	simm.s32 $0xA;
	s5 =	sor.u32 s6, s5  }
0xd: {  	_ =	strace $0x80000047;
	s24 =	sshrl.u32 s23, $0x1;
	s6 =	sadd.s32 $0x200, s1  }
0xe: {  	s0 =	sadd.s32 s5, s0;
	s8 =	ssub.s32 s23, s24;
	s5 =	sadd.s32 $0x100, s1  }
.Ltmp0:
0xf: {  	s24 =	simm.s32 $0x3;
	s0 =	sadd.s32 $0x400, s0;
	(pc) =	sbr.rel .LBB2_1-.Ltmp0, $4  }
0x10: {  	s23 =	simm.s32 $0x6000;
	s8 =	smax.u32 s8, $0x1;
	[dreg:$0x4] =	wrdreg s0  }
0x11: {  	v0 =	vlaneseq.u32;
	[dreg:$0x5] =	wrdreg s8;
	s0 =	sadd.s32 s25, s2;
	s25 =	simm.s32 $0x4  }
0x12: {  	v1 =	vshrl.u32 v0, $0x3;
	s2 =	simm.s32 $0x9;
	s8 =	simm.s32 $0xB;
	s0 =	sadd.s32 s26, s0  }
0x13: {  	vm0 =	vmmov $0xffff;
	v0 =	vand.u32 $0x7, v0;
	v1 =	vmul.u32 $0x8, v1;
	s26 =	simm.s32 $0x5;
	[dreg:$0x6] =	wrdreg s0;
	s0 =	simm.s32 $0xA000  }
.LBB2_4:
0x14: {  	_ =	swait.ge [sflag:s4], $0x2000  }
0x15: {  	[sflag:s4] =	ssyncset.done $0x0  }
0x16: {  	[sflag:s4] =	ssyncadd.s32 $0xFFFFE000  }
0x17: {  	_ =	swait.ge [sflag:s8], $0x2000  }
0x18: {  	[sflag:s8] =	ssyncset.done $0x0  }
0x19: {  	[sflag:s8] =	ssyncadd.s32 $0xFFFFE000  }
0x1a: {  	_ =	swait.ge [sflag:s12], $0x2000  }
0x1b: {  	[sflag:s12] =	ssyncset.done $0x0  }
0x1c: {  	[sflag:s12] =	ssyncadd.s32 $0xFFFFE000  }
0x1d: {  	_ =	swait.ge [sflag:s13], $0x2000  }
0x1e: {  	[sflag:s13] =	ssyncset.done $0x0  }
0x1f: {  	[sflag:s13] =	ssyncadd.s32 $0xFFFFE000  }
0x20: {  	_ =	swait.ge [sflag:s14], $0x2000  }
0x21: {  	[sflag:s14] =	ssyncset.done $0x0  }
0x22: {  	[sflag:s14] =	ssyncadd.s32 $0xFFFFE000  }
0x23: {  	_ =	swait.ge [sflag:s17], $0x2000  }
0x24: {  	[sflag:s17] =	ssyncset.done $0x0  }
0x25: {  	[sflag:s17] =	ssyncadd.s32 $0xFFFFE000  }
0x26: {  	_ =	swait.ge [sflag:s18], $0x2000  }
0x27: {  	s20 =	rddreg [dreg:$0x7]  }
0x28: {  	s9 =	rddreg [dreg:$0x5];
	s20 =	sadd.s32 $0x1, s20  }
0x29: {  	p0 =	sne.s32 s20, s9  }
.Ltmp1:
0x2a: {  	_ = 	snop;
	(pc) =	sbr.rel @!p0 .LBB2_5-.Ltmp1, $4  }
0x2b: {  	_ = 	snop  }
0x2c: {  	s15 =	simm.s32 $0x4000;
	s11 =	simm.s32 $0x6000  }
0x2d: {  	s19 =	simm.s32 $0x8000;
	s0 =	simm.s32 $0xA000;
	[sflag:s18] =	ssyncset.done $0x0  }
0x2e: {  	s10 =	simm.s32 $0xC000;
	s16 =	simm.s32 $0xE000;
	[sflag:s18] =	ssyncadd.s32 $0xFFFFE000  }
.LBB2_1:
0x2f: {  	[dreg:$0x7] =	wrdreg s20  }
0x30: {  	s9 =	rddreg [dreg:$0x4];
	s22 =	simm.s32 $0x11  }
0x31: {  	[tilespmem:s3], [sflag:$0x11] =	stream.linear.gather [hbm4b:s9+s3], $0x4000, $0x38;
	[tilespmem:$0x14000] =	vst v63  }
0x32: {  	_ =	swait.ge [sflag:s22], $0x4000  }
0x33: {  	[sflag:s22] =	ssyncset.done $0x0  }
0x34: {  	[sflag:s22] =	ssyncadd.s32 $0xFFFFC000  }
0x35: {  	v2 =	vld.msk [tilespmem:$0x0], $0xff;
	_ =	sdelay $0x4  }
0x36: {  	v3 =	vshll.u32 v2, $0x3  }
0x37: {  	v2 =	vand.u32 $0x7, v2;
	v3 =	vand.u32 $0xFFFFFFC0, v3  }
0x38: {  	v2 =	vor.u32 v2, v3  }
0x39: {  	v2 =	vperm.xlane v2, v0;
	_ =	sdelay $0x1  }
0x3a: {  	v2 =	vadd.s32 v1, v2;
	_ =	sdelay $0x4  }
0x3b: {  	[tilespmem:s15], [sflag:$0x1] =	stream.indirect_vreg.gather [hbm4b:s1+s3], $0x80, v2, vm0, $0xb8;
	[tilespmem:$0x14000] =	vst v63  }
0x3c: {  	s20 =	simm.s32 $0x4800  }
0x3d: {  	[tilespmem:s20], [sflag:$0x1] =	stream.indirect_vreg.gather [hbm4b:s5+s3], $0x80, v2, vm0, $0xb8;
	[tilespmem:$0x14000] =	vst v63  }
0x3e: {  	s21 =	simm.s32 $0x5000  }
0x3f: {  	[tilespmem:s21], [sflag:$0x1] =	stream.indirect_vreg.gather [hbm4b:s6+s3], $0x80, v2, vm0, $0xb8;
	[tilespmem:$0x14000] =	vst v63  }
0x40: {  	s22 =	simm.s32 $0x5800  }
0x41: {  	[tilespmem:s22], [sflag:$0x1] =	stream.indirect_vreg.gather [hbm4b:s7+s3], $0x80, v2, vm0, $0xb8;
	[tilespmem:$0x14000] =	vst v63  }
0x42: {  	v2 =	vld.msk [tilespmem:$0x80], $0xff;
	_ =	sdelay $0x4  }
0x43: {  	v3 =	vshll.u32 v2, $0x3  }
0x44: {  	v2 =	vand.u32 $0x7, v2;
	v3 =	vand.u32 $0xFFFFFFC0, v3  }
0x45: {  	v2 =	vor.u32 v2, v3  }
0x46: {  	v2 =	vperm.xlane v2, v0;
	_ =	sdelay $0x1  }
0x47: {  	v2 =	vadd.s32 v1, v2;
	_ =	sdelay $0x4  }
0x48: {  	[tilespmem:s11], [sflag:$0x2] =	stream.indirect_vreg.gather [hbm4b:s1+s3], $0x80, v2, vm0, $0xb8;
	[tilespmem:$0x14000] =	vst v63  }
0x49: {  	s20 =	simm.s32 $0x6800  }
0x4a: {  	[tilespmem:s20], [sflag:$0x2] =	stream.indirect_vreg.gather [hbm4b:s5+s3], $0x80, v2, vm0, $0xb8;
	[tilespmem:$0x14000] =	vst v63  }
0x4b: {  	s21 =	simm.s32 $0x7000  }
0x4c: {  	[tilespmem:s21], [sflag:$0x2] =	stream.indirect_vreg.gather [hbm4b:s6+s3], $0x80, v2, vm0, $0xb8;
	[tilespmem:$0x14000] =	vst v63  }
0x4d: {  	s22 =	simm.s32 $0x7800  }
0x4e: {  	[tilespmem:s22], [sflag:$0x2] =	stream.indirect_vreg.gather [hbm4b:s7+s3], $0x80, v2, vm0, $0xb8;
	[tilespmem:$0x14000] =	vst v63  }
0x4f: {  	v2 =	vld.msk [tilespmem:$0x100], $0xff;
	_ =	sdelay $0x4  }
0x50: {  	v3 =	vshll.u32 v2, $0x3  }
0x51: {  	v2 =	vand.u32 $0x7, v2;
	v3 =	vand.u32 $0xFFFFFFC0, v3  }
0x52: {  	v2 =	vor.u32 v2, v3  }
0x53: {  	v2 =	vperm.xlane v2, v0;
	_ =	sdelay $0x1  }
0x54: {  	v2 =	vadd.s32 v1, v2;
	_ =	sdelay $0x4  }
0x55: {  	[tilespmem:s19], [sflag:$0x3] =	stream.indirect_vreg.gather [hbm4b:s1+s3], $0x80, v2, vm0, $0xb8;
	[tilespmem:$0x14000] =	vst v63  }
0x56: {  	s11 =	simm.s32 $0x8800  }
0x57: {  	[tilespmem:s11], [sflag:$0x3] =	stream.indirect_vreg.gather [hbm4b:s5+s3], $0x80, v2, vm0, $0xb8;
	[tilespmem:$0x14000] =	vst v63  }
0x58: {  	s19 =	simm.s32 $0x9000  }
0x59: {  	[tilespmem:s19], [sflag:$0x3] =	stream.indirect_vreg.gather [hbm4b:s6+s3], $0x80, v2, vm0, $0xb8;
	[tilespmem:$0x14000] =	vst v63  }
0x5a: {  	s20 =	simm.s32 $0x9800  }
0x5b: {  	[tilespmem:s20], [sflag:$0x3] =	stream.indirect_vreg.gather [hbm4b:s7+s3], $0x80, v2, vm0, $0xb8;
	[tilespmem:$0x14000] =	vst v63  }
0x5c: {  	v2 =	vld.msk [tilespmem:$0x180], $0xff;
	_ =	sdelay $0x4  }
0x5d: {  	v3 =	vshll.u32 v2, $0x3  }
0x5e: {  	v2 =	vand.u32 $0x7, v2;
	v3 =	vand.u32 $0xFFFFFFC0, v3  }
0x5f: {  	v2 =	vor.u32 v2, v3  }
0x60: {  	v2 =	vperm.xlane v2, v0;
	_ =	sdelay $0x1  }
0x61: {  	v2 =	vadd.s32 v1, v2;
	_ =	sdelay $0x4  }
0x62: {  	[tilespmem:s0], [sflag:$0x4] =	stream.indirect_vreg.gather [hbm4b:s1+s3], $0x80, v2, vm0, $0xb8;
	[tilespmem:$0x14000] =	vst v63  }
0x63: {  	s21 =	simm.s32 $0xA800  }
0x64: {  	[tilespmem:s21], [sflag:$0x4] =	stream.indirect_vreg.gather [hbm4b:s5+s3], $0x80, v2, vm0, $0xb8;
	[tilespmem:$0x14000] =	vst v63  }
0x65: {  	s22 =	simm.s32 $0xB000  }
0x66: {  	[tilespmem:s22], [sflag:$0x4] =	stream.indirect_vreg.gather [hbm4b:s6+s3], $0x80, v2, vm0, $0xb8;
	[tilespmem:$0x14000] =	vst v63  }
0x67: {  	s9 =	simm.s32 $0xB800  }
0x68: {  	[tilespmem:s9], [sflag:$0x4] =	stream.indirect_vreg.gather [hbm4b:s7+s3], $0x80, v2, vm0, $0xb8;
	[tilespmem:$0x14000] =	vst v63  }
0x69: {  	v2 =	vld.msk [tilespmem:$0x200], $0xff;
	_ =	sdelay $0x4  }
0x6a: {  	v3 =	vshll.u32 v2, $0x3  }
0x6b: {  	v2 =	vand.u32 $0x7, v2;
	v3 =	vand.u32 $0xFFFFFFC0, v3  }
0x6c: {  	v2 =	vor.u32 v2, v3  }
0x6d: {  	v2 =	vperm.xlane v2, v0;
	_ =	sdelay $0x1  }
0x6e: {  	v2 =	vadd.s32 v1, v2;
	_ =	sdelay $0x4  }
0x6f: {  	[tilespmem:s10], [sflag:$0x5] =	stream.indirect_vreg.gather [hbm4b:s1+s3], $0x80, v2, vm0, $0xb8;
	[tilespmem:$0x14000] =	vst v63  }
0x70: {  	s10 =	simm.s32 $0xC800  }
0x71: {  	[tilespmem:s10], [sflag:$0x5] =	stream.indirect_vreg.gather [hbm4b:s5+s3], $0x80, v2, vm0, $0xb8;
	[tilespmem:$0x14000] =	vst v63  }
0x72: {  	s11 =	simm.s32 $0xD000  }
0x73: {  	[tilespmem:s11], [sflag:$0x5] =	stream.indirect_vreg.gather [hbm4b:s6+s3], $0x80, v2, vm0, $0xb8;
	[tilespmem:$0x14000] =	vst v63  }
0x74: {  	s19 =	simm.s32 $0xD800  }
0x75: {  	[tilespmem:s19], [sflag:$0x5] =	stream.indirect_vreg.gather [hbm4b:s7+s3], $0x80, v2, vm0, $0xb8;
	[tilespmem:$0x14000] =	vst v63  }
0x76: {  	v2 =	vld.msk [tilespmem:$0x280], $0xff;
	_ =	sdelay $0x4  }
0x77: {  	v3 =	vshll.u32 v2, $0x3  }
0x78: {  	v2 =	vand.u32 $0x7, v2;
	v3 =	vand.u32 $0xFFFFFFC0, v3  }
0x79: {  	v2 =	vor.u32 v2, v3  }
0x7a: {  	v2 =	vperm.xlane v2, v0;
	_ =	sdelay $0x1  }
0x7b: {  	v2 =	vadd.s32 v1, v2;
	_ =	sdelay $0x4  }
0x7c: {  	[tilespmem:s16], [sflag:$0x6] =	stream.indirect_vreg.gather [hbm4b:s1+s3], $0x80, v2, vm0, $0xb8;
	[tilespmem:$0x14000] =	vst v63  }
0x7d: {  	s20 =	simm.s32 $0xE800  }
0x7e: {  	[tilespmem:s20], [sflag:$0x6] =	stream.indirect_vreg.gather [hbm4b:s5+s3], $0x80, v2, vm0, $0xb8;
	[tilespmem:$0x14000] =	vst v63  }
0x7f: {  	s21 =	simm.s32 $0xF000  }
0x80: {  	[tilespmem:s21], [sflag:$0x6] =	stream.indirect_vreg.gather [hbm4b:s6+s3], $0x80, v2, vm0, $0xb8;
	[tilespmem:$0x14000] =	vst v63  }
0x81: {  	s22 =	simm.s32 $0xF800  }
0x82: {  	[tilespmem:s22], [sflag:$0x6] =	stream.indirect_vreg.gather [hbm4b:s7+s3], $0x80, v2, vm0, $0xb8;
	[tilespmem:$0x14000] =	vst v63  }
0x83: {  	v2 =	vld.msk [tilespmem:$0x300], $0xff;
	_ =	sdelay $0x4  }
0x84: {  	v3 =	vshll.u32 v2, $0x3  }
0x85: {  	v2 =	vand.u32 $0x7, v2;
	v3 =	vand.u32 $0xFFFFFFC0, v3  }
0x86: {  	v2 =	vor.u32 v2, v3  }
0x87: {  	v2 =	vperm.xlane v2, v0;
	_ =	sdelay $0x1  }
0x88: {  	v2 =	vadd.s32 v1, v2;
	_ =	sdelay $0x3  }
0x89: {  	s21 =	simm.s32 $0x10000  }
0x8a: {  	[tilespmem:s21], [sflag:$0x7] =	stream.indirect_vreg.gather [hbm4b:s1+s3], $0x80, v2, vm0, $0xb8;
	[tilespmem:$0x14000] =	vst v63  }
0x8b: {  	s9 =	simm.s32 $0x10800  }
0x8c: {  	[tilespmem:s9], [sflag:$0x7] =	stream.indirect_vreg.gather [hbm4b:s5+s3], $0x80, v2, vm0, $0xb8;
	[tilespmem:$0x14000] =	vst v63  }
0x8d: {  	s10 =	simm.s32 $0x11000  }
0x8e: {  	[tilespmem:s10], [sflag:$0x7] =	stream.indirect_vreg.gather [hbm4b:s6+s3], $0x80, v2, vm0, $0xb8;
	[tilespmem:$0x14000] =	vst v63  }
0x8f: {  	s11 =	simm.s32 $0x11800  }
0x90: {  	[tilespmem:s11], [sflag:$0x7] =	stream.indirect_vreg.gather [hbm4b:s7+s3], $0x80, v2, vm0, $0xb8;
	[tilespmem:$0x14000] =	vst v63  }
0x91: {  	v2 =	vld.msk [tilespmem:$0x380], $0xff;
	_ =	sdelay $0x4  }
0x92: {  	v3 =	vshll.u32 v2, $0x3  }
0x93: {  	v2 =	vand.u32 $0x7, v2;
	v3 =	vand.u32 $0xFFFFFFC0, v3  }
0x94: {  	v2 =	vor.u32 v2, v3  }
0x95: {  	v2 =	vperm.xlane v2, v0;
	_ =	sdelay $0x1  }
0x96: {  	v2 =	vadd.s32 v1, v2;
	_ =	sdelay $0x3  }
0x97: {  	s22 =	simm.s32 $0x12000  }
0x98: {  	[tilespmem:s22], [sflag:$0x8] =	stream.indirect_vreg.gather [hbm4b:s1+s3], $0x80, v2, vm0, $0xb8;
	[tilespmem:$0x14000] =	vst v63  }
0x99: {  	s16 =	simm.s32 $0x12800  }
0x9a: {  	[tilespmem:s16], [sflag:$0x8] =	stream.indirect_vreg.gather [hbm4b:s5+s3], $0x80, v2, vm0, $0xb8;
	[tilespmem:$0x14000] =	vst v63  }
0x9b: {  	s19 =	simm.s32 $0x13000  }
0x9c: {  	[tilespmem:s19], [sflag:$0x8] =	stream.indirect_vreg.gather [hbm4b:s6+s3], $0x80, v2, vm0, $0xb8;
	[tilespmem:$0x14000] =	vst v63  }
0x9d: {  	s0 =	simm.s32 $0xA000;
	s20 =	simm.s32 $0x13800;
	s9 =	simm.s32 $0x0  }
0x9e: {  	[tilespmem:s20], [sflag:$0x8] =	stream.indirect_vreg.gather [hbm4b:s7+s3], $0x80, v2, vm0, $0xb8;
	[tilespmem:$0x14000] =	vst v63  }
0x9f: {  	s10 =	simm.s32 $0xC000;
	s16 =	simm.s32 $0xE000;
	s20 =	simm.s32 $0x780  }
.LBB2_2:
0xa0: {  	s11 =	simm.s32 $0x1  }
0xa1: {  	_ =	swait.ge [sflag:s11], $0x2000  }
0xa2: {  	[sflag:s11] =	ssyncset.done $0x0;
	s19 =	rddreg [dreg:$0x6]  }
0xa3: {  	[sflag:s11] =	ssyncadd.s32 $0xFFFFE000;
	s11 =	sadd.s32 s9, s19;
	s19 =	simm.s32 $0x2  }
0xa4: {  	[hbm4b:s11+s3] =	stream.linear.scatter [tilespmem:s15], [sflag:$0x9], $0x2000, $0x38;
	[tilespmem:$0x14000] =	vst v63  }
0xa5: {  	_ =	swait.ge [sflag:s19], $0x2000  }
0xa6: {  	[sflag:s19] =	ssyncset.done $0x0  }
0xa7: {  	s15 =	sadd.s32 $0x400, s11;
	[sflag:s19] =	ssyncadd.s32 $0xFFFFE000  }
0xa8: {  	[hbm4b:s15+s3] =	stream.linear.scatter [tilespmem:s23], [sflag:$0xA], $0x2000, $0x38;
	[tilespmem:$0x14000] =	vst v63  }
0xa9: {  	_ =	swait.ge [sflag:s24], $0x2000  }
0xaa: {  	[sflag:s24] =	ssyncset.done $0x0  }
0xab: {  	s15 =	sadd.s32 $0x800, s11;
	[sflag:s24] =	ssyncadd.s32 $0xFFFFE000  }
0xac: {  	[hbm4b:s15+s3] =	stream.linear.scatter [tilespmem:s28], [sflag:$0xB], $0x2000, $0x38;
	[tilespmem:$0x14000] =	vst v63  }
0xad: {  	_ =	swait.ge [sflag:s25], $0x2000  }
0xae: {  	[sflag:s25] =	ssyncset.done $0x0  }
0xaf: {  	s15 =	sadd.s32 $0xC00, s11;
	[sflag:s25] =	ssyncadd.s32 $0xFFFFE000  }
0xb0: {  	[hbm4b:s15+s3] =	stream.linear.scatter [tilespmem:s0], [sflag:$0xC], $0x2000, $0x38;
	[tilespmem:$0x14000] =	vst v63  }
0xb1: {  	_ =	swait.ge [sflag:s26], $0x2000  }
0xb2: {  	[sflag:s26] =	ssyncset.done $0x0  }
0xb3: {  	s15 =	sadd.s32 $0x1000, s11;
	[sflag:s26] =	ssyncadd.s32 $0xFFFFE000  }
0xb4: {  	[hbm4b:s15+s3] =	stream.linear.scatter [tilespmem:s10], [sflag:$0xD], $0x2000, $0x38;
	[tilespmem:$0x14000] =	vst v63  }
0xb5: {  	_ =	swait.ge [sflag:s29], $0x2000  }
0xb6: {  	[sflag:s29] =	ssyncset.done $0x0  }
0xb7: {  	s15 =	sadd.s32 $0x1400, s11;
	[sflag:s29] =	ssyncadd.s32 $0xFFFFE000  }
0xb8: {  	[hbm4b:s15+s3] =	stream.linear.scatter [tilespmem:s16], [sflag:$0xE], $0x2000, $0x38;
	[tilespmem:$0x14000] =	vst v63  }
0xb9: {  	_ =	swait.ge [sflag:s30], $0x2000  }
0xba: {  	[sflag:s30] =	ssyncset.done $0x0  }
0xbb: {  	s15 =	sadd.s32 $0x1800, s11;
	[sflag:s30] =	ssyncadd.s32 $0xFFFFE000  }
0xbc: {  	[hbm4b:s15+s3] =	stream.linear.scatter [tilespmem:s21], [sflag:$0xF], $0x2000, $0x38;
	[tilespmem:$0x14000] =	vst v63  }
0xbd: {  	_ =	swait.ge [sflag:s31], $0x2000  }
0xbe: {  	p0 =	seq.s32 s9, $0x1E000;
	[sflag:s31] =	ssyncset.done $0x0  }
.Ltmp2:
0xbf: {  	s11 =	sadd.s32 $0x1C00, s11;
	[sflag:s31] =	ssyncadd.s32 $0xFFFFE000;
	(pc) =	sbr.rel @p0 .LBB2_4-.Ltmp2, $4  }
0xc0: {  	[hbm4b:s11+s3] =	stream.linear.scatter [tilespmem:s22], [sflag:$0x10], $0x2000, $0x38;
	[tilespmem:$0x14000] =	vst v63  }
0xc1: {  	_ =	swait.ge [sflag:s2], $0x2000  }
0xc2: {  	s19 =	simm.s32 $0x4000;
	[sflag:s2] =	ssyncset.done $0x0  }
0xc3: {  	s15 =	simm.s32 $0x10000;
	s21 =	simm.s32 $0x12000;
	[sflag:s2] =	ssyncadd.s32 $0xFFFFE000  }
0xc4: {  	v2 =	vld.msk [tilespmem:s20+$0xFFFFFC80], $0xff;
	_ =	sdelay $0x4  }
0xc5: {  	v3 =	vshll.u32 v2, $0x3  }
0xc6: {  	v2 =	vand.u32 $0x7, v2;
	v3 =	vand.u32 $0xFFFFFFC0, v3  }
0xc7: {  	v2 =	vor.u32 v2, v3  }
0xc8: {  	v2 =	vperm.xlane v2, v0;
	_ =	sdelay $0x1  }
0xc9: {  	v2 =	vadd.s32 v1, v2;
	_ =	sdelay $0x4  }
0xca: {  	[tilespmem:s19], [sflag:$0x1] =	stream.indirect_vreg.gather [hbm4b:s1+s3], $0x80, v2, vm0, $0xb8;
	[tilespmem:$0x14000] =	vst v63  }
0xcb: {  	s11 =	simm.s32 $0x4800  }
0xcc: {  	[tilespmem:s11], [sflag:$0x1] =	stream.indirect_vreg.gather [hbm4b:s5+s3], $0x80, v2, vm0, $0xb8;
	[tilespmem:$0x14000] =	vst v63  }
0xcd: {  	s22 =	simm.s32 $0x5000  }
0xce: {  	[tilespmem:s22], [sflag:$0x1] =	stream.indirect_vreg.gather [hbm4b:s6+s3], $0x80, v2, vm0, $0xb8;
	[tilespmem:$0x14000] =	vst v63  }
0xcf: {  	s19 =	simm.s32 $0x5800  }
0xd0: {  	[tilespmem:s19], [sflag:$0x1] =	stream.indirect_vreg.gather [hbm4b:s7+s3], $0x80, v2, vm0, $0xb8;
	[tilespmem:$0x14000] =	vst v63  }
0xd1: {  	_ =	swait.ge [sflag:s4], $0x2000  }
0xd2: {  	[sflag:s4] =	ssyncset.done $0x0  }
0xd3: {  	[sflag:s4] =	ssyncadd.s32 $0xFFFFE000  }
0xd4: {  	v2 =	vld.msk [tilespmem:s20+$0xFFFFFD00], $0xff;
	_ =	sdelay $0x4  }
0xd5: {  	v3 =	vshll.u32 v2, $0x3  }
0xd6: {  	v2 =	vand.u32 $0x7, v2;
	v3 =	vand.u32 $0xFFFFFFC0, v3  }
0xd7: {  	v2 =	vor.u32 v2, v3  }
0xd8: {  	v2 =	vperm.xlane v2, v0;
	_ =	sdelay $0x1  }
0xd9: {  	v2 =	vadd.s32 v1, v2;
	_ =	sdelay $0x4  }
0xda: {  	[tilespmem:s23], [sflag:$0x2] =	stream.indirect_vreg.gather [hbm4b:s1+s3], $0x80, v2, vm0, $0xb8;
	[tilespmem:$0x14000] =	vst v63  }
0xdb: {  	s22 =	simm.s32 $0x6800  }
0xdc: {  	[tilespmem:s22], [sflag:$0x2] =	stream.indirect_vreg.gather [hbm4b:s5+s3], $0x80, v2, vm0, $0xb8;
	[tilespmem:$0x14000] =	vst v63  }
0xdd: {  	s19 =	simm.s32 $0x7000  }
0xde: {  	[tilespmem:s19], [sflag:$0x2] =	stream.indirect_vreg.gather [hbm4b:s6+s3], $0x80, v2, vm0, $0xb8;
	[tilespmem:$0x14000] =	vst v63  }
0xdf: {  	s22 =	simm.s32 $0x7800  }
0xe0: {  	[tilespmem:s22], [sflag:$0x2] =	stream.indirect_vreg.gather [hbm4b:s7+s3], $0x80, v2, vm0, $0xb8;
	[tilespmem:$0x14000] =	vst v63  }
0xe1: {  	_ =	swait.ge [sflag:s8], $0x2000  }
0xe2: {  	[sflag:s8] =	ssyncset.done $0x0  }
0xe3: {  	[sflag:s8] =	ssyncadd.s32 $0xFFFFE000  }
0xe4: {  	v2 =	vld.msk [tilespmem:s20+$0xFFFFFD80], $0xff;
	_ =	sdelay $0x4  }
0xe5: {  	v3 =	vshll.u32 v2, $0x3  }
0xe6: {  	v2 =	vand.u32 $0x7, v2;
	v3 =	vand.u32 $0xFFFFFFC0, v3  }
0xe7: {  	v2 =	vor.u32 v2, v3  }
0xe8: {  	v2 =	vperm.xlane v2, v0;
	_ =	sdelay $0x1  }
0xe9: {  	v2 =	vadd.s32 v1, v2;
	_ =	sdelay $0x4  }
0xea: {  	[tilespmem:s28], [sflag:$0x3] =	stream.indirect_vreg.gather [hbm4b:s1+s3], $0x80, v2, vm0, $0xb8;
	[tilespmem:$0x14000] =	vst v63  }
0xeb: {  	s19 =	simm.s32 $0x8800  }
0xec: {  	[tilespmem:s19], [sflag:$0x3] =	stream.indirect_vreg.gather [hbm4b:s5+s3], $0x80, v2, vm0, $0xb8;
	[tilespmem:$0x14000] =	vst v63  }
0xed: {  	s22 =	simm.s32 $0x9000  }
0xee: {  	[tilespmem:s22], [sflag:$0x3] =	stream.indirect_vreg.gather [hbm4b:s6+s3], $0x80, v2, vm0, $0xb8;
	[tilespmem:$0x14000] =	vst v63  }
0xef: {  	s19 =	simm.s32 $0x9800  }
0xf0: {  	[tilespmem:s19], [sflag:$0x3] =	stream.indirect_vreg.gather [hbm4b:s7+s3], $0x80, v2, vm0, $0xb8;
	[tilespmem:$0x14000] =	vst v63  }
0xf1: {  	_ =	swait.ge [sflag:s12], $0x2000  }
0xf2: {  	[sflag:s12] =	ssyncset.done $0x0  }
0xf3: {  	[sflag:s12] =	ssyncadd.s32 $0xFFFFE000  }
0xf4: {  	v2 =	vld.msk [tilespmem:s20+$0xFFFFFE00], $0xff;
	_ =	sdelay $0x4  }
0xf5: {  	v3 =	vshll.u32 v2, $0x3  }
0xf6: {  	v2 =	vand.u32 $0x7, v2;
	v3 =	vand.u32 $0xFFFFFFC0, v3  }
0xf7: {  	v2 =	vor.u32 v2, v3  }
0xf8: {  	v2 =	vperm.xlane v2, v0;
	_ =	sdelay $0x1  }
0xf9: {  	v2 =	vadd.s32 v1, v2;
	_ =	sdelay $0x4  }
0xfa: {  	[tilespmem:s0], [sflag:$0x4] =	stream.indirect_vreg.gather [hbm4b:s1+s3], $0x80, v2, vm0, $0xb8;
	[tilespmem:$0x14000] =	vst v63  }
0xfb: {  	s22 =	simm.s32 $0xA800  }
0xfc: {  	[tilespmem:s22], [sflag:$0x4] =	stream.indirect_vreg.gather [hbm4b:s5+s3], $0x80, v2, vm0, $0xb8;
	[tilespmem:$0x14000] =	vst v63  }
0xfd: {  	s19 =	simm.s32 $0xB000  }
0xfe: {  	[tilespmem:s19], [sflag:$0x4] =	stream.indirect_vreg.gather [hbm4b:s6+s3], $0x80, v2, vm0, $0xb8;
	[tilespmem:$0x14000] =	vst v63  }
0xff: {  	s22 =	simm.s32 $0xB800  }
0x100: {  	[tilespmem:s22], [sflag:$0x4] =	stream.indirect_vreg.gather [hbm4b:s7+s3], $0x80, v2, vm0, $0xb8;
	[tilespmem:$0x14000] =	vst v63  }
0x101: {  	_ =	swait.ge [sflag:s13], $0x2000  }
0x102: {  	[sflag:s13] =	ssyncset.done $0x0  }
0x103: {  	[sflag:s13] =	ssyncadd.s32 $0xFFFFE000  }
0x104: {  	v2 =	vld.msk [tilespmem:s20+$0xFFFFFE80], $0xff;
	_ =	sdelay $0x4  }
0x105: {  	v3 =	vshll.u32 v2, $0x3  }
0x106: {  	v2 =	vand.u32 $0x7, v2;
	v3 =	vand.u32 $0xFFFFFFC0, v3  }
0x107: {  	v2 =	vor.u32 v2, v3  }
0x108: {  	v2 =	vperm.xlane v2, v0;
	_ =	sdelay $0x1  }
0x109: {  	v2 =	vadd.s32 v1, v2;
	_ =	sdelay $0x4  }
0x10a: {  	[tilespmem:s10], [sflag:$0x5] =	stream.indirect_vreg.gather [hbm4b:s1+s3], $0x80, v2, vm0, $0xb8;
	[tilespmem:$0x14000] =	vst v63  }
0x10b: {  	s19 =	simm.s32 $0xC800  }
0x10c: {  	[tilespmem:s19], [sflag:$0x5] =	stream.indirect_vreg.gather [hbm4b:s5+s3], $0x80, v2, vm0, $0xb8;
	[tilespmem:$0x14000] =	vst v63  }
0x10d: {  	s22 =	simm.s32 $0xD000  }
0x10e: {  	[tilespmem:s22], [sflag:$0x5] =	stream.indirect_vreg.gather [hbm4b:s6+s3], $0x80, v2, vm0, $0xb8;
	[tilespmem:$0x14000] =	vst v63  }
0x10f: {  	s19 =	simm.s32 $0xD800  }
0x110: {  	[tilespmem:s19], [sflag:$0x5] =	stream.indirect_vreg.gather [hbm4b:s7+s3], $0x80, v2, vm0, $0xb8;
	[tilespmem:$0x14000] =	vst v63  }
0x111: {  	_ =	swait.ge [sflag:s14], $0x2000  }
0x112: {  	[sflag:s14] =	ssyncset.done $0x0  }
0x113: {  	[sflag:s14] =	ssyncadd.s32 $0xFFFFE000  }
0x114: {  	v2 =	vld.msk [tilespmem:s20+$0xFFFFFF00], $0xff;
	_ =	sdelay $0x4  }
0x115: {  	v3 =	vshll.u32 v2, $0x3  }
0x116: {  	v2 =	vand.u32 $0x7, v2;
	v3 =	vand.u32 $0xFFFFFFC0, v3  }
0x117: {  	v2 =	vor.u32 v2, v3  }
0x118: {  	v2 =	vperm.xlane v2, v0;
	_ =	sdelay $0x1  }
0x119: {  	v2 =	vadd.s32 v1, v2;
	_ =	sdelay $0x4  }
0x11a: {  	[tilespmem:s16], [sflag:$0x6] =	stream.indirect_vreg.gather [hbm4b:s1+s3], $0x80, v2, vm0, $0xb8;
	[tilespmem:$0x14000] =	vst v63  }
0x11b: {  	s22 =	simm.s32 $0xE800  }
0x11c: {  	[tilespmem:s22], [sflag:$0x6] =	stream.indirect_vreg.gather [hbm4b:s5+s3], $0x80, v2, vm0, $0xb8;
	[tilespmem:$0x14000] =	vst v63  }
0x11d: {  	s19 =	simm.s32 $0xF000  }
0x11e: {  	[tilespmem:s19], [sflag:$0x6] =	stream.indirect_vreg.gather [hbm4b:s6+s3], $0x80, v2, vm0, $0xb8;
	[tilespmem:$0x14000] =	vst v63  }
0x11f: {  	s22 =	simm.s32 $0xF800  }
0x120: {  	[tilespmem:s22], [sflag:$0x6] =	stream.indirect_vreg.gather [hbm4b:s7+s3], $0x80, v2, vm0, $0xb8;
	[tilespmem:$0x14000] =	vst v63  }
0x121: {  	_ =	swait.ge [sflag:s17], $0x2000  }
0x122: {  	[sflag:s17] =	ssyncset.done $0x0  }
0x123: {  	[sflag:s17] =	ssyncadd.s32 $0xFFFFE000  }
0x124: {  	v2 =	vld.msk [tilespmem:s20+$0xFFFFFF80], $0xff;
	_ =	sdelay $0x4  }
0x125: {  	v3 =	vshll.u32 v2, $0x3  }
0x126: {  	v2 =	vand.u32 $0x7, v2;
	v3 =	vand.u32 $0xFFFFFFC0, v3  }
0x127: {  	v2 =	vor.u32 v2, v3  }
0x128: {  	v2 =	vperm.xlane v2, v0;
	_ =	sdelay $0x1  }
0x129: {  	v2 =	vadd.s32 v1, v2;
	_ =	sdelay $0x4  }
0x12a: {  	[tilespmem:s15], [sflag:$0x7] =	stream.indirect_vreg.gather [hbm4b:s1+s3], $0x80, v2, vm0, $0xb8;
	[tilespmem:$0x14000] =	vst v63  }
0x12b: {  	s19 =	simm.s32 $0x10800  }
0x12c: {  	[tilespmem:s19], [sflag:$0x7] =	stream.indirect_vreg.gather [hbm4b:s5+s3], $0x80, v2, vm0, $0xb8;
	[tilespmem:$0x14000] =	vst v63  }
0x12d: {  	s22 =	simm.s32 $0x11000  }
0x12e: {  	[tilespmem:s22], [sflag:$0x7] =	stream.indirect_vreg.gather [hbm4b:s6+s3], $0x80, v2, vm0, $0xb8;
	[tilespmem:$0x14000] =	vst v63  }
0x12f: {  	s15 =	simm.s32 $0x11800  }
0x130: {  	[tilespmem:s15], [sflag:$0x7] =	stream.indirect_vreg.gather [hbm4b:s7+s3], $0x80, v2, vm0, $0xb8;
	[tilespmem:$0x14000] =	vst v63  }
0x131: {  	_ =	swait.ge [sflag:s18], $0x2000  }
0x132: {  	[sflag:s18] =	ssyncset.done $0x0  }
0x133: {  	[sflag:s18] =	ssyncadd.s32 $0xFFFFE000  }
0x134: {  	v2 =	vld.msk [tilespmem:s20+$0x0], $0xff;
	_ =	sdelay $0x4  }
0x135: {  	v3 =	vshll.u32 v2, $0x3  }
0x136: {  	v2 =	vand.u32 $0x7, v2;
	v3 =	vand.u32 $0xFFFFFFC0, v3  }
0x137: {  	v2 =	vor.u32 v2, v3  }
0x138: {  	v2 =	vperm.xlane v2, v0;
	_ =	sdelay $0x1  }
0x139: {  	v2 =	vadd.s32 v1, v2;
	_ =	sdelay $0x4  }
0x13a: {  	[tilespmem:s21], [sflag:$0x8] =	stream.indirect_vreg.gather [hbm4b:s1+s3], $0x80, v2, vm0, $0xb8;
	[tilespmem:$0x14000] =	vst v63  }
0x13b: {  	s19 =	simm.s32 $0x12800  }
0x13c: {  	[tilespmem:s19], [sflag:$0x8] =	stream.indirect_vreg.gather [hbm4b:s5+s3], $0x80, v2, vm0, $0xb8;
	[tilespmem:$0x14000] =	vst v63  }
.Ltmp3:
0x13d: {  	s21 =	simm.s32 $0x13000;
	(pc) =	sbr.rel .LBB2_2-.Ltmp3, $4  }
0x13e: {  	[tilespmem:s21], [sflag:$0x8] =	stream.indirect_vreg.gather [hbm4b:s6+s3], $0x80, v2, vm0, $0xb8;
	[tilespmem:$0x14000] =	vst v63  }
0x13f: {  	s9 =	sadd.s32 $0x2000, s9;
	s22 =	simm.s32 $0x13800;
	s15 =	simm.s32 $0x4000  }
0x140: {  	[tilespmem:s22], [sflag:$0x8] =	stream.indirect_vreg.gather [hbm4b:s7+s3], $0x80, v2, vm0, $0xb8;
	[tilespmem:$0x14000] =	vst v63  }
0x141: {  	s20 =	sadd.s32 $0x400, s20;
	s21 =	simm.s32 $0x10000;
	s22 =	simm.s32 $0x12000  }
.LBB2_5:
0x142: {  	_ =	sfence.sel $0x180000  }
0x143: {  	[bflag:$0x0] =	sbarrier.arrive $0xFFFF  }
0x144: {  	_ =	strace $0x90000047  }
0x145: {  	s0 =	stileid.u32;
	[bflag:$0x2] =	sbarrier.arrive $0xFFFF  }
0x146: {  	p0 =	sne.s32 s0, $0x0;
	s0 =	rddreg [dreg:$0x3]  }
0x147: {  	s0 =	sadd.s32 @!p0 $0x100000, s0  }
0x148: {  	[sflag:s0] =	ssyncadd.tile.s32 @!p0 $0x1;
	_ =	shalt  }
.Lfunc_end2:
_tile_overlayer_lowered:
.L_overlay_start_2:
0x149: {  	(tag) =	ssettag $0x2  }
0x14a: {  	s0 =	rddreg [dreg:$0x0];
	s2 =	stileid.u32  }
0x14b: {  	s1 =	rddreg [dreg:$0x1];
	p0 =	sne.s32 s2, $0x0  }
0x14c: {  	s3 =	rddreg [dreg:$0x2];
	[bflag:$0x3] =	sbarrier.arrive $0xFFFF;
	s2 =	simm.s32 @!p0 $0x1C11  }
0x14d: {  	[timem:s3], [sflag:s2] =	dma.local @!p0 [hbm:s0], s1  }
0x14e: {  	s0 =	simm.s32 @!p0 $0x11  }
0x14f: {  	_ =	swait.ge @!p0 [sflag:s0], s1  }
0x150: {  	s1 =	ssub.s32 @!p0 $0x0, s1;
	[sflag:s0] =	ssyncset.done @!p0 $0x0  }
0x151: {  	[sflag:s0] =	ssyncadd.s32 @!p0 s1  }
0x152: {  	[bflag:$0x3] =	sbarrier.arrive $0xFFFF  }
0x153: {  	_ =	shalt  }

</sc_bundles>
